<compile_context>
chip_gen: v7x
topology: tpu7x:2x2x1
jax: 0.10.2.dev20260603
libtpu: 0.0.44.dev20260713+nightly
codegen_flags: <defaults>
</compile_context>

<pallas_src>
import functools
import jax
import jax.numpy as jnp
from jax import lax
from jax.experimental import pallas as pl
from jax.experimental.pallas import tpu as pltpu
from jax.experimental.pallas import tpu_sc as plsc

_NW = 32
_CU = 512
_JU = _CU // 128
_CM = 256
_JM = _CM // 128


def _make_sc_kernel(n_u, n_m, D, pu_w, pm_w):
    mesh = plsc.VectorSubcoreMesh(core_axis_name="c", subcore_axis_name="s")

    @functools.partial(
        pl.kernel,
        out_type=(
            jax.ShapeDtypeStruct((n_u, D + 1), jnp.float32),
            jax.ShapeDtypeStruct((n_m, D), jnp.float32),
        ),
        mesh=mesh,
        compiler_params=pltpu.CompilerParams(
            use_tc_tiling_on_sc=False, needs_layout_passes=False),
        scratch_types=[
            pltpu.VMEM((_JU, 128), jnp.int32),
            pltpu.VMEM((_CU, D + 1), jnp.float32),
            pltpu.VMEM((_CM, D), jnp.float32),
            pltpu.VMEM((_CU,), jnp.float32),
            pltpu.SemaphoreType.DMA,
        ],
    )
    def k(aug_hbm, tab_hbm, iu_hbm, im_hbm, x_hbm, out_hbm, pm_hbm,
          idx_v, rows_v, pmr_v, xc_v, sem):
        wid = lax.axis_index("s") * 2 + lax.axis_index("c")

        def u_body(j, carry):
            base = wid * pu_w + j * _CU
            pltpu.sync_copy(iu_hbm.at[pl.ds(base // 128, _JU)], idx_v)
            cps = [
                pltpu.async_copy(
                    aug_hbm.at[idx_v.at[t]],
                    rows_v.at[pl.ds(t * 128, 128)], sem)
                for t in range(_JU)
            ]
            pltpu.sync_copy(x_hbm.at[pl.ds(base, _CU)], xc_v)
            for cp in cps:
                cp.wait()
            zero16 = jnp.zeros((16,), jnp.int32)
            for t in range(_CU // 16):
                vals = xc_v[pl.ds(t * 16, 16)]
                ridx = lax.iota(jnp.int32, 16) + t * 16
                plsc.store_scatter(rows_v, [ridx, zero16], vals)
            pltpu.sync_copy(rows_v, out_hbm.at[pl.ds(base, _CU)])
            return carry

        lax.fori_loop(0, pu_w // _CU, u_body, 0)

        def m_body(j, carry):
            base = wid * pm_w + j * _CM
            pltpu.sync_copy(im_hbm.at[pl.ds(base // 128, _JM)],
                            idx_v.at[pl.ds(0, _JM)])
            cps = [
                pltpu.async_copy(
                    tab_hbm.at[idx_v.at[t]],
                    pmr_v.at[pl.ds(t * 128, 128)], sem)
                for t in range(_JM)
            ]
            for cp in cps:
                cp.wait()
            pltpu.sync_copy(pmr_v, pm_hbm.at[pl.ds(base, _CM)])
            return carry

        lax.fori_loop(0, pm_w // _CM, m_body, 0)

    return k


def kernel(x, positions_unmask, positions_mask, pos_table):
    B, L = x.shape
    LM = positions_mask.shape[1]
    D = pos_table.shape[1]
    n_u = B * L
    n_m = B * LM
    pu_w = n_u // _NW
    pm_w = n_m // _NW

    xf = x.astype(jnp.float32).reshape(n_u)
    iu = positions_unmask.astype(jnp.int32).reshape(n_u // 128, 128)
    im = positions_mask.astype(jnp.int32).reshape(n_m // 128, 128)
    aug = jnp.concatenate(
        [jnp.zeros((pos_table.shape[0], 1), jnp.float32), pos_table], axis=1)

    k = _make_sc_kernel(n_u, n_m, D, pu_w, pm_w)
    out, pm = k(aug, pos_table, iu, im, xf)
    return out.reshape(B, L, D + 1), pm.reshape(B, LM, D)

# --- scband reference (transcript-rebuilt; emitter-appended) ---
"""Pipeline reference for scband-token-and-position-embedding-77816217468942 (READ-ONLY COPY).

The authoritative reference and input builder live on the scoring server;
editing this copy changes nothing except your own understanding.
"""

import jax, jax.numpy as jnp
import numpy as np

MAXLEN = 2048
EMBED_DIM = 128
B = 4096
L = 200
LM = 50

def setup_inputs(seed: int = 0) -> dict:
    key = jax.random.key(seed)
    k1, k2, k3, k4 = jax.random.split(key, 4)
    x = jax.random.normal(k1, (B, L), dtype=jnp.float32)
    positions_unmask = jax.random.randint(k2, (B, L), 0, MAXLEN)
    positions_mask = jax.random.randint(k3, (B, LM), 0, MAXLEN)
    pos_table = jax.random.normal(k4, (MAXLEN, EMBED_DIM), dtype=jnp.float32) * 0.02
    return {"x": x, "positions_unmask": positions_unmask, "positions_mask": positions_mask, "pos_table": pos_table}

def reference(x, positions_unmask, positions_mask, pos_table):
    # pos_emb lookups (embedding gather)
    pu = jnp.take(pos_table, positions_unmask, axis=0)  # [B, L, EMBED_DIM]
    # positions_mask.shape[1] >= 2 branch: embed it too
    pm = jnp.take(pos_table, positions_mask, axis=0)    # [B, LM, EMBED_DIM]
    # x -> expand_dims(-1), cast float32, concat along axis=2
    xe = jnp.expand_dims(x.astype(jnp.float32), -1)     # [B, L, 1]
    out = jnp.concatenate([xe, pu], axis=2)             # [B, L, EMBED_DIM + 1]
    return (out, pm)

if __name__ == "__main__":
    import jax
    _d = setup_inputs()
    print(jax.jit(kernel)(*tuple(_d.values())))

</pallas_src>

<mosaic_0001>
#map = affine_map<(d0, d1) -> (0, 0)>
#map1 = affine_map<(d0, d1) -> (0)>
module attributes {stable_mosaic.version = 14 : i64} {
  func.func @k(%arg0: i32, %arg1: i32, %arg2: memref<2048x129xf32, #tpu.memory_space<hbm>>, %arg3: memref<2048x128xf32, #tpu.memory_space<hbm>>, %arg4: memref<6400x128xi32, #tpu.memory_space<hbm>>, %arg5: memref<1600x128xi32, #tpu.memory_space<hbm>>, %arg6: memref<819200xf32, #tpu.memory_space<hbm>>, %arg7: memref<819200x129xf32, #tpu.memory_space<hbm>>, %arg8: memref<204800x128xf32, #tpu.memory_space<hbm>>, %arg9: memref<4x128xi32, #tpu.memory_space<vmem>>, %arg10: memref<512x129xf32, #tpu.memory_space<vmem>>, %arg11: memref<256x128xf32, #tpu.memory_space<vmem>>, %arg12: memref<512xf32, #tpu.memory_space<vmem>>, %arg13: memref<!tpu.dma_semaphore, #tpu.memory_space<semaphore_mem>>) attributes {dimension_semantics = [#tpu.dimension_semantics<core_parallel>, #tpu.dimension_semantics<subcore_parallel>], iteration_bounds = array<i64: 2, 16>, scalar_prefetch = 0 : i64, scratch_operands = 5 : i64, tpu.core_type = #tpu.core_type<sc_vector_subcore>, window_params = [{transform_indices = #map}, {transform_indices = #map}, {transform_indices = #map}, {transform_indices = #map}, {transform_indices = #map1}, {transform_indices = #map}, {transform_indices = #map}]} {
    %mul3A = arith.constant 2 : i32
    %mul3A_0 = arith.muli %arg1, %mul3A : i32
    %add3A = arith.addi %mul3A_0, %arg0 : i32
    %scan3A = arith.constant 0 : i32
    %scan3A_1 = arith.constant 0 : i32
    %scan3A_2 = arith.constant 50 : i32
    %scan3A_3 = arith.addi %scan3A_1, %scan3A_2 : i32
    %scan3A_4 = arith.constant 1 : i32
    scf.for %scan3A_12 = %scan3A_1 to %scan3A_3 step %scan3A_4  : i32 {
      %mul3A_13 = arith.constant 25600 : i32
      %mul3A_14 = arith.muli %add3A, %mul3A_13 : i32
      %mul3A_15 = arith.constant 512 : i32
      %mul3A_16 = arith.muli %scan3A_12, %mul3A_15 : i32
      %add3A_17 = arith.addi %mul3A_14, %mul3A_16 : i32
      %jit3A = arith.constant 128 : i32
      %div3A = arith.divsi %add3A_17, %jit3A : i32
      %sign3A = arith.constant 0 : i32
      %sign3A_18 = arith.cmpi sgt, %add3A_17, %sign3A : i32
      %sign3A_19 = arith.extui %sign3A_18 : i1 to i32
      %sign3A_20 = arith.constant 0 : i32
      %sign3A_21 = arith.cmpi slt, %add3A_17, %sign3A_20 : i32
      %sign3A_22 = arith.extui %sign3A_21 : i1 to i32
      %sign3A_23 = arith.subi %sign3A_19, %sign3A_22 : i32
      %sign3A_24 = arith.constant 0 : i32
      %sign3A_25 = arith.cmpi sgt, %jit3A, %sign3A_24 : i32
      %sign3A_26 = arith.extui %sign3A_25 : i1 to i32
      %sign3A_27 = arith.constant 0 : i32
      %sign3A_28 = arith.cmpi slt, %jit3A, %sign3A_27 : i32
      %sign3A_29 = arith.extui %sign3A_28 : i1 to i32
      %sign3A_30 = arith.subi %sign3A_26, %sign3A_29 : i32
      %ne3A = arith.cmpi ne, %sign3A_23, %sign3A_30 : i32
      %rem3A = arith.remsi %add3A_17, %jit3A : i32
      %ne3A_31 = arith.constant 0 : i32
      %ne3A_32 = arith.cmpi ne, %rem3A, %ne3A_31 : i32
      %and3A = arith.andi %ne3A, %ne3A_32 : i1
      %sub3A = arith.constant 1 : i32
      %sub3A_33 = arith.subi %div3A, %sub3A : i32
      %select_n3A = arith.select %and3A, %sub3A_33, %div3A : i32
      "tpu.region"() ({
        %run_scoped3A = tpu.sem_alloc : memref<!tpu.dma_semaphore, #tpu.memory_space<semaphore_mem>>
        %dma_start3A_303 = arith.constant 0 : i32
        %dma_start3A_304 = tpu.memref_slice %arg4[%select_n3A, %dma_start3A_303] : memref<6400x128xi32, #tpu.memory_space<hbm>> -> memref<4x128xi32, #tpu.memory_space<hbm>>
        %dma_start3A_305 = arith.constant 0 : i32
        %dma_start3A_306 = tpu.memref_slice %arg4[%select_n3A, %dma_start3A_305] : memref<6400x128xi32, #tpu.memory_space<hbm>> -> memref<4x128xi32, #tpu.memory_space<hbm>>
        tpu.enqueue_dma source(%dma_start3A_306 : memref<4x128xi32, #tpu.memory_space<hbm>>) target(%arg9 : memref<4x128xi32, #tpu.memory_space<vmem>>) target_semaphore(%run_scoped3A : memref<!tpu.dma_semaphore, #tpu.memory_space<semaphore_mem>>)
        %dma_wait3A_307 = arith.constant 0 : i32
        %dma_wait3A_308 = tpu.memref_slice %arg4[%select_n3A, %dma_wait3A_307] : memref<6400x128xi32, #tpu.memory_space<hbm>> -> memref<4x128xi32, #tpu.memory_space<hbm>>
        %dma_wait3A_309 = arith.constant 0 : i32
        %dma_wait3A_310 = tpu.memref_slice %arg4[%select_n3A, %dma_wait3A_309] : memref<6400x128xi32, #tpu.memory_space<hbm>> -> memref<4x128xi32, #tpu.memory_space<hbm>>
        tpu.wait_dma2 semaphore(%run_scoped3A : memref<!tpu.dma_semaphore, #tpu.memory_space<semaphore_mem>>) src(%dma_wait3A_310 : memref<4x128xi32, #tpu.memory_space<hbm>>) dst(%arg9 : memref<4x128xi32, #tpu.memory_space<vmem>>)
        tpu.yield
      }) : () -> ()
      %dma_start3A = arith.constant 0 : i32
      %dma_start3A_34 = arith.constant 0 : i32
      %dma_start3A_35 = arith.constant 0 : i32
      %dma_start3A_36 = tpu.memref_slice %arg10[%dma_start3A_34, %dma_start3A_35] : memref<512x129xf32, #tpu.memory_space<vmem>> -> memref<128x129xf32, #tpu.memory_space<vmem>>
      %dma_start3A_37 = arith.constant 0 : i32
      %dma_start3A_38 = tpu.memref_slice %arg9[%dma_start3A, %dma_start3A_37] : memref<4x128xi32, #tpu.memory_space<vmem>> -> memref<1x128xi32, #tpu.memory_space<vmem>>
      %dma_start3A_39 = tpu.memref_squeeze %dma_start3A_38 : memref<1x128xi32, #tpu.memory_space<vmem>> -> memref<128xi32, #tpu.memory_space<vmem>>
      %dma_start3A_40 = arith.constant 0 : i32
      %dma_start3A_41 = arith.constant 0 : i32
      %dma_start3A_42 = tpu.memref_slice %arg2[%dma_start3A_40, %dma_start3A_41] : memref<2048x129xf32, #tpu.memory_space<hbm>> -> memref<2048x129xf32, #tpu.memory_space<hbm>>
      tpu.enqueue_indirect_dma source(%dma_start3A_42 : memref<2048x129xf32, #tpu.memory_space<hbm>>) target(%dma_start3A_36 : memref<128x129xf32, #tpu.memory_space<vmem>>) offsets(%dma_start3A_39 : memref<128xi32, #tpu.memory_space<vmem>>) semaphore(%arg13 : memref<!tpu.dma_semaphore, #tpu.memory_space<semaphore_mem>>)
      %dma_start3A_43 = arith.constant 1 : i32
      %dma_start3A_44 = arith.constant 128 : i32
      %dma_start3A_45 = arith.constant 0 : i32
      %dma_start3A_46 = tpu.memref_slice %arg10[%dma_start3A_44, %dma_start3A_45] : memref<512x129xf32, #tpu.memory_space<vmem>> -> memref<128x129xf32, #tpu.memory_space<vmem>>
      %dma_start3A_47 = arith.constant 0 : i32
      %dma_start3A_48 = tpu.memref_slice %arg9[%dma_start3A_43, %dma_start3A_47] : memref<4x128xi32, #tpu.memory_space<vmem>> -> memref<1x128xi32, #tpu.memory_space<vmem>>
      %dma_start3A_49 = tpu.memref_squeeze %dma_start3A_48 : memref<1x128xi32, #tpu.memory_space<vmem>> -> memref<128xi32, #tpu.memory_space<vmem>>
      %dma_start3A_50 = arith.constant 0 : i32
      %dma_start3A_51 = arith.constant 0 : i32
      %dma_start3A_52 = tpu.memref_slice %arg2[%dma_start3A_50, %dma_start3A_51] : memref<2048x129xf32, #tpu.memory_space<hbm>> -> memref<2048x129xf32, #tpu.memory_space<hbm>>
      tpu.enqueue_indirect_dma source(%dma_start3A_52 : memref<2048x129xf32, #tpu.memory_space<hbm>>) target(%dma_start3A_46 : memref<128x129xf32, #tpu.memory_space<vmem>>) offsets(%dma_start3A_49 : memref<128xi32, #tpu.memory_space<vmem>>) semaphore(%arg13 : memref<!tpu.dma_semaphore, #tpu.memory_space<semaphore_mem>>)
      %dma_start3A_53 = arith.constant 2 : i32
      %dma_start3A_54 = arith.constant 256 : i32
      %dma_start3A_55 = arith.constant 0 : i32
      %dma_start3A_56 = tpu.memref_slice %arg10[%dma_start3A_54, %dma_start3A_55] : memref<512x129xf32, #tpu.memory_space<vmem>> -> memref<128x129xf32, #tpu.memory_space<vmem>>
      %dma_start3A_57 = arith.constant 0 : i32
      %dma_start3A_58 = tpu.memref_slice %arg9[%dma_start3A_53, %dma_start3A_57] : memref<4x128xi32, #tpu.memory_space<vmem>> -> memref<1x128xi32, #tpu.memory_space<vmem>>
      %dma_start3A_59 = tpu.memref_squeeze %dma_start3A_58 : memref<1x128xi32, #tpu.memory_space<vmem>> -> memref<128xi32, #tpu.memory_space<vmem>>
      %dma_start3A_60 = arith.constant 0 : i32
      %dma_start3A_61 = arith.constant 0 : i32
      %dma_start3A_62 = tpu.memref_slice %arg2[%dma_start3A_60, %dma_start3A_61] : memref<2048x129xf32, #tpu.memory_space<hbm>> -> memref<2048x129xf32, #tpu.memory_space<hbm>>
      tpu.enqueue_indirect_dma source(%dma_start3A_62 : memref<2048x129xf32, #tpu.memory_space<hbm>>) target(%dma_start3A_56 : memref<128x129xf32, #tpu.memory_space<vmem>>) offsets(%dma_start3A_59 : memref<128xi32, #tpu.memory_space<vmem>>) semaphore(%arg13 : memref<!tpu.dma_semaphore, #tpu.memory_space<semaphore_mem>>)
      %dma_start3A_63 = arith.constant 3 : i32
      %dma_start3A_64 = arith.constant 384 : i32
      %dma_start3A_65 = arith.constant 0 : i32
      %dma_start3A_66 = tpu.memref_slice %arg10[%dma_start3A_64, %dma_start3A_65] : memref<512x129xf32, #tpu.memory_space<vmem>> -> memref<128x129xf32, #tpu.memory_space<vmem>>
      %dma_start3A_67 = arith.constant 0 : i32
      %dma_start3A_68 = tpu.memref_slice %arg9[%dma_start3A_63, %dma_start3A_67] : memref<4x128xi32, #tpu.memory_space<vmem>> -> memref<1x128xi32, #tpu.memory_space<vmem>>
      %dma_start3A_69 = tpu.memref_squeeze %dma_start3A_68 : memref<1x128xi32, #tpu.memory_space<vmem>> -> memref<128xi32, #tpu.memory_space<vmem>>
      %dma_start3A_70 = arith.constant 0 : i32
      %dma_start3A_71 = arith.constant 0 : i32
      %dma_start3A_72 = tpu.memref_slice %arg2[%dma_start3A_70, %dma_start3A_71] : memref<2048x129xf32, #tpu.memory_space<hbm>> -> memref<2048x129xf32, #tpu.memory_space<hbm>>
      tpu.enqueue_indirect_dma source(%dma_start3A_72 : memref<2048x129xf32, #tpu.memory_space<hbm>>) target(%dma_start3A_66 : memref<128x129xf32, #tpu.memory_space<vmem>>) offsets(%dma_start3A_69 : memref<128xi32, #tpu.memory_space<vmem>>) semaphore(%arg13 : memref<!tpu.dma_semaphore, #tpu.memory_space<semaphore_mem>>)
      "tpu.region"() ({
        %run_scoped3A = tpu.sem_alloc : memref<!tpu.dma_semaphore, #tpu.memory_space<semaphore_mem>>
        %dma_start3A_303 = tpu.memref_slice %arg6[%add3A_17] : memref<819200xf32, #tpu.memory_space<hbm>> -> memref<512xf32, #tpu.memory_space<hbm>>
        %dma_start3A_304 = tpu.memref_slice %arg6[%add3A_17] : memref<819200xf32, #tpu.memory_space<hbm>> -> memref<512xf32, #tpu.memory_space<hbm>>
        tpu.enqueue_dma source(%dma_start3A_304 : memref<512xf32, #tpu.memory_space<hbm>>) target(%arg12 : memref<512xf32, #tpu.memory_space<vmem>>) target_semaphore(%run_scoped3A : memref<!tpu.dma_semaphore, #tpu.memory_space<semaphore_mem>>)
        %dma_wait3A_305 = tpu.memref_slice %arg6[%add3A_17] : memref<819200xf32, #tpu.memory_space<hbm>> -> memref<512xf32, #tpu.memory_space<hbm>>
        %dma_wait3A_306 = tpu.memref_slice %arg6[%add3A_17] : memref<819200xf32, #tpu.memory_space<hbm>> -> memref<512xf32, #tpu.memory_space<hbm>>
        tpu.wait_dma2 semaphore(%run_scoped3A : memref<!tpu.dma_semaphore, #tpu.memory_space<semaphore_mem>>) src(%dma_wait3A_306 : memref<512xf32, #tpu.memory_space<hbm>>) dst(%arg12 : memref<512xf32, #tpu.memory_space<vmem>>)
        tpu.yield
      }) : () -> ()
      %dma_wait3A = arith.constant 0 : i32
      %dma_wait3A_73 = arith.constant 0 : i32
      %dma_wait3A_74 = arith.constant 0 : i32
      %dma_wait3A_75 = tpu.memref_slice %arg10[%dma_wait3A_73, %dma_wait3A_74] : memref<512x129xf32, #tpu.memory_space<vmem>> -> memref<128x129xf32, #tpu.memory_space<vmem>>
      %dma_wait3A_76 = arith.constant 0 : i32
      %dma_wait3A_77 = tpu.memref_slice %arg9[%dma_wait3A, %dma_wait3A_76] : memref<4x128xi32, #tpu.memory_space<vmem>> -> memref<1x128xi32, #tpu.memory_space<vmem>>
      %dma_wait3A_78 = tpu.memref_squeeze %dma_wait3A_77 : memref<1x128xi32, #tpu.memory_space<vmem>> -> memref<128xi32, #tpu.memory_space<vmem>>
      %dma_wait3A_79 = arith.constant 0 : i32
      %dma_wait3A_80 = arith.constant 0 : i32
      %dma_wait3A_81 = tpu.memref_slice %arg2[%dma_wait3A_79, %dma_wait3A_80] : memref<2048x129xf32, #tpu.memory_space<hbm>> -> memref<2048x129xf32, #tpu.memory_space<hbm>>
      tpu.wait_indirect_dma semaphore(%arg13 : memref<!tpu.dma_semaphore, #tpu.memory_space<semaphore_mem>>) src(%dma_wait3A_81 : memref<2048x129xf32, #tpu.memory_space<hbm>>) dst(%dma_wait3A_75 : memref<128x129xf32, #tpu.memory_space<vmem>>)
      %dma_wait3A_82 = arith.constant 1 : i32
      %dma_wait3A_83 = arith.constant 128 : i32
      %dma_wait3A_84 = arith.constant 0 : i32
      %dma_wait3A_85 = tpu.memref_slice %arg10[%dma_wait3A_83, %dma_wait3A_84] : memref<512x129xf32, #tpu.memory_space<vmem>> -> memref<128x129xf32, #tpu.memory_space<vmem>>
      %dma_wait3A_86 = arith.constant 0 : i32
      %dma_wait3A_87 = tpu.memref_slice %arg9[%dma_wait3A_82, %dma_wait3A_86] : memref<4x128xi32, #tpu.memory_space<vmem>> -> memref<1x128xi32, #tpu.memory_space<vmem>>
      %dma_wait3A_88 = tpu.memref_squeeze %dma_wait3A_87 : memref<1x128xi32, #tpu.memory_space<vmem>> -> memref<128xi32, #tpu.memory_space<vmem>>
      %dma_wait3A_89 = arith.constant 0 : i32
      %dma_wait3A_90 = arith.constant 0 : i32
      %dma_wait3A_91 = tpu.memref_slice %arg2[%dma_wait3A_89, %dma_wait3A_90] : memref<2048x129xf32, #tpu.memory_space<hbm>> -> memref<2048x129xf32, #tpu.memory_space<hbm>>
      tpu.wait_indirect_dma semaphore(%arg13 : memref<!tpu.dma_semaphore, #tpu.memory_space<semaphore_mem>>) src(%dma_wait3A_91 : memref<2048x129xf32, #tpu.memory_space<hbm>>) dst(%dma_wait3A_85 : memref<128x129xf32, #tpu.memory_space<vmem>>)
      %dma_wait3A_92 = arith.constant 2 : i32
      %dma_wait3A_93 = arith.constant 256 : i32
      %dma_wait3A_94 = arith.constant 0 : i32
      %dma_wait3A_95 = tpu.memref_slice %arg10[%dma_wait3A_93, %dma_wait3A_94] : memref<512x129xf32, #tpu.memory_space<vmem>> -> memref<128x129xf32, #tpu.memory_space<vmem>>
      %dma_wait3A_96 = arith.constant 0 : i32
      %dma_wait3A_97 = tpu.memref_slice %arg9[%dma_wait3A_92, %dma_wait3A_96] : memref<4x128xi32, #tpu.memory_space<vmem>> -> memref<1x128xi32, #tpu.memory_space<vmem>>
      %dma_wait3A_98 = tpu.memref_squeeze %dma_wait3A_97 : memref<1x128xi32, #tpu.memory_space<vmem>> -> memref<128xi32, #tpu.memory_space<vmem>>
      %dma_wait3A_99 = arith.constant 0 : i32
      %dma_wait3A_100 = arith.constant 0 : i32
      %dma_wait3A_101 = tpu.memref_slice %arg2[%dma_wait3A_99, %dma_wait3A_100] : memref<2048x129xf32, #tpu.memory_space<hbm>> -> memref<2048x129xf32, #tpu.memory_space<hbm>>
      tpu.wait_indirect_dma semaphore(%arg13 : memref<!tpu.dma_semaphore, #tpu.memory_space<semaphore_mem>>) src(%dma_wait3A_101 : memref<2048x129xf32, #tpu.memory_space<hbm>>) dst(%dma_wait3A_95 : memref<128x129xf32, #tpu.memory_space<vmem>>)
      %dma_wait3A_102 = arith.constant 3 : i32
      %dma_wait3A_103 = arith.constant 384 : i32
      %dma_wait3A_104 = arith.constant 0 : i32
      %dma_wait3A_105 = tpu.memref_slice %arg10[%dma_wait3A_103, %dma_wait3A_104] : memref<512x129xf32, #tpu.memory_space<vmem>> -> memref<128x129xf32, #tpu.memory_space<vmem>>
      %dma_wait3A_106 = arith.constant 0 : i32
      %dma_wait3A_107 = tpu.memref_slice %arg9[%dma_wait3A_102, %dma_wait3A_106] : memref<4x128xi32, #tpu.memory_space<vmem>> -> memref<1x128xi32, #tpu.memory_space<vmem>>
      %dma_wait3A_108 = tpu.memref_squeeze %dma_wait3A_107 : memref<1x128xi32, #tpu.memory_space<vmem>> -> memref<128xi32, #tpu.memory_space<vmem>>
      %dma_wait3A_109 = arith.constant 0 : i32
      %dma_wait3A_110 = arith.constant 0 : i32
      %dma_wait3A_111 = tpu.memref_slice %arg2[%dma_wait3A_109, %dma_wait3A_110] : memref<2048x129xf32, #tpu.memory_space<hbm>> -> memref<2048x129xf32, #tpu.memory_space<hbm>>
      tpu.wait_indirect_dma semaphore(%arg13 : memref<!tpu.dma_semaphore, #tpu.memory_space<semaphore_mem>>) src(%dma_wait3A_111 : memref<2048x129xf32, #tpu.memory_space<hbm>>) dst(%dma_wait3A_105 : memref<128x129xf32, #tpu.memory_space<vmem>>)
      %broadcast_in_dim3A = arith.constant 0 : i32
      %broadcast_in_dim3A_112 = vector.broadcast %broadcast_in_dim3A : i32 to vector<16xi32>
      %get3A = arith.constant 0 : index
      %get3A_113 = tpu.vector_load %arg12[%get3A] {strides = array<i32>} : memref<512xf32, #tpu.memory_space<vmem>>, vector<16xf32>,
      %iota3A = tpu.iota {dimensions = array<i32: 0>} : vector<16xi32>
      %add3A_114 = arith.constant 0 : i32
      %add3A_115 = vector.broadcast %add3A_114 : i32 to vector<16xi32>
      %add3A_116 = arith.addi %iota3A, %add3A_115 : vector<16xi32>
      tpu.vector_store_idx %arg10[%add3A_116, %broadcast_in_dim3A_112], %get3A_113 : memref<512x129xf32, #tpu.memory_space<vmem>>[vector<16xi32>, vector<16xi32>], vector<16xf32>,
      %get3A_117 = arith.constant 16 : index
      %get3A_118 = tpu.vector_load %arg12[%get3A_117] {strides = array<i32>} : memref<512xf32, #tpu.memory_space<vmem>>, vector<16xf32>,
      %iota3A_119 = tpu.iota {dimensions = array<i32: 0>} : vector<16xi32>
      %add3A_120 = arith.constant 16 : i32
      %add3A_121 = vector.broadcast %add3A_120 : i32 to vector<16xi32>
      %add3A_122 = arith.addi %iota3A_119, %add3A_121 : vector<16xi32>
      tpu.vector_store_idx %arg10[%add3A_122, %broadcast_in_dim3A_112], %get3A_118 : memref<512x129xf32, #tpu.memory_space<vmem>>[vector<16xi32>, vector<16xi32>], vector<16xf32>,
      %get3A_123 = arith.constant 32 : index
      %get3A_124 = tpu.vector_load %arg12[%get3A_123] {strides = array<i32>} : memref<512xf32, #tpu.memory_space<vmem>>, vector<16xf32>,
      %iota3A_125 = tpu.iota {dimensions = array<i32: 0>} : vector<16xi32>
      %add3A_126 = arith.constant 32 : i32
      %add3A_127 = vector.broadcast %add3A_126 : i32 to vector<16xi32>
      %add3A_128 = arith.addi %iota3A_125, %add3A_127 : vector<16xi32>
      tpu.vector_store_idx %arg10[%add3A_128, %broadcast_in_dim3A_112], %get3A_124 : memref<512x129xf32, #tpu.memory_space<vmem>>[vector<16xi32>, vector<16xi32>], vector<16xf32>,
      %get3A_129 = arith.constant 48 : index
      %get3A_130 = tpu.vector_load %arg12[%get3A_129] {strides = array<i32>} : memref<512xf32, #tpu.memory_space<vmem>>, vector<16xf32>,
      %iota3A_131 = tpu.iota {dimensions = array<i32: 0>} : vector<16xi32>
      %add3A_132 = arith.constant 48 : i32
      %add3A_133 = vector.broadcast %add3A_132 : i32 to vector<16xi32>
      %add3A_134 = arith.addi %iota3A_131, %add3A_133 : vector<16xi32>
      tpu.vector_store_idx %arg10[%add3A_134, %broadcast_in_dim3A_112], %get3A_130 : memref<512x129xf32, #tpu.memory_space<vmem>>[vector<16xi32>, vector<16xi32>], vector<16xf32>,
      %get3A_135 = arith.constant 64 : index
      %get3A_136 = tpu.vector_load %arg12[%get3A_135] {strides = array<i32>} : memref<512xf32, #tpu.memory_space<vmem>>, vector<16xf32>,
      %iota3A_137 = tpu.iota {dimensions = array<i32: 0>} : vector<16xi32>
      %add3A_138 = arith.constant 64 : i32
      %add3A_139 = vector.broadcast %add3A_138 : i32 to vector<16xi32>
      %add3A_140 = arith.addi %iota3A_137, %add3A_139 : vector<16xi32>
      tpu.vector_store_idx %arg10[%add3A_140, %broadcast_in_dim3A_112], %get3A_136 : memref<512x129xf32, #tpu.memory_space<vmem>>[vector<16xi32>, vector<16xi32>], vector<16xf32>,
      %get3A_141 = arith.constant 80 : index
      %get3A_142 = tpu.vector_load %arg12[%get3A_141] {strides = array<i32>} : memref<512xf32, #tpu.memory_space<vmem>>, vector<16xf32>,
      %iota3A_143 = tpu.iota {dimensions = array<i32: 0>} : vector<16xi32>
      %add3A_144 = arith.constant 80 : i32
      %add3A_145 = vector.broadcast %add3A_144 : i32 to vector<16xi32>
      %add3A_146 = arith.addi %iota3A_143, %add3A_145 : vector<16xi32>
      tpu.vector_store_idx %arg10[%add3A_146, %broadcast_in_dim3A_112], %get3A_142 : memref<512x129xf32, #tpu.memory_space<vmem>>[vector<16xi32>, vector<16xi32>], vector<16xf32>,
      %get3A_147 = arith.constant 96 : index
      %get3A_148 = tpu.vector_load %arg12[%get3A_147] {strides = array<i32>} : memref<512xf32, #tpu.memory_space<vmem>>, vector<16xf32>,
      %iota3A_149 = tpu.iota {dimensions = array<i32: 0>} : vector<16xi32>
      %add3A_150 = arith.constant 96 : i32
      %add3A_151 = vector.broadcast %add3A_150 : i32 to vector<16xi32>
      %add3A_152 = arith.addi %iota3A_149, %add3A_151 : vector<16xi32>
      tpu.vector_store_idx %arg10[%add3A_152, %broadcast_in_dim3A_112], %get3A_148 : memref<512x129xf32, #tpu.memory_space<vmem>>[vector<16xi32>, vector<16xi32>], vector<16xf32>,
      %get3A_153 = arith.constant 112 : index
      %get3A_154 = tpu.vector_load %arg12[%get3A_153] {strides = array<i32>} : memref<512xf32, #tpu.memory_space<vmem>>, vector<16xf32>,
      %iota3A_155 = tpu.iota {dimensions = array<i32: 0>} : vector<16xi32>
      %add3A_156 = arith.constant 112 : i32
      %add3A_157 = vector.broadcast %add3A_156 : i32 to vector<16xi32>
      %add3A_158 = arith.addi %iota3A_155, %add3A_157 : vector<16xi32>
      tpu.vector_store_idx %arg10[%add3A_158, %broadcast_in_dim3A_112], %get3A_154 : memref<512x129xf32, #tpu.memory_space<vmem>>[vector<16xi32>, vector<16xi32>], vector<16xf32>,
      %get3A_159 = arith.constant 128 : index
      %get3A_160 = tpu.vector_load %arg12[%get3A_159] {strides = array<i32>} : memref<512xf32, #tpu.memory_space<vmem>>, vector<16xf32>,
      %iota3A_161 = tpu.iota {dimensions = array<i32: 0>} : vector<16xi32>
      %add3A_162 = arith.constant 128 : i32
      %add3A_163 = vector.broadcast %add3A_162 : i32 to vector<16xi32>
      %add3A_164 = arith.addi %iota3A_161, %add3A_163 : vector<16xi32>
      tpu.vector_store_idx %arg10[%add3A_164, %broadcast_in_dim3A_112], %get3A_160 : memref<512x129xf32, #tpu.memory_space<vmem>>[vector<16xi32>, vector<16xi32>], vector<16xf32>,
      %get3A_165 = arith.constant 144 : index
      %get3A_166 = tpu.vector_load %arg12[%get3A_165] {strides = array<i32>} : memref<512xf32, #tpu.memory_space<vmem>>, vector<16xf32>,
      %iota3A_167 = tpu.iota {dimensions = array<i32: 0>} : vector<16xi32>
      %add3A_168 = arith.constant 144 : i32
      %add3A_169 = vector.broadcast %add3A_168 : i32 to vector<16xi32>
      %add3A_170 = arith.addi %iota3A_167, %add3A_169 : vector<16xi32>
      tpu.vector_store_idx %arg10[%add3A_170, %broadcast_in_dim3A_112], %get3A_166 : memref<512x129xf32, #tpu.memory_space<vmem>>[vector<16xi32>, vector<16xi32>], vector<16xf32>,
      %get3A_171 = arith.constant 160 : index
      %get3A_172 = tpu.vector_load %arg12[%get3A_171] {strides = array<i32>} : memref<512xf32, #tpu.memory_space<vmem>>, vector<16xf32>,
      %iota3A_173 = tpu.iota {dimensions = array<i32: 0>} : vector<16xi32>
      %add3A_174 = arith.constant 160 : i32
      %add3A_175 = vector.broadcast %add3A_174 : i32 to vector<16xi32>
      %add3A_176 = arith.addi %iota3A_173, %add3A_175 : vector<16xi32>
      tpu.vector_store_idx %arg10[%add3A_176, %broadcast_in_dim3A_112], %get3A_172 : memref<512x129xf32, #tpu.memory_space<vmem>>[vector<16xi32>, vector<16xi32>], vector<16xf32>,
      %get3A_177 = arith.constant 176 : index
      %get3A_178 = tpu.vector_load %arg12[%get3A_177] {strides = array<i32>} : memref<512xf32, #tpu.memory_space<vmem>>, vector<16xf32>,
      %iota3A_179 = tpu.iota {dimensions = array<i32: 0>} : vector<16xi32>
      %add3A_180 = arith.constant 176 : i32
      %add3A_181 = vector.broadcast %add3A_180 : i32 to vector<16xi32>
      %add3A_182 = arith.addi %iota3A_179, %add3A_181 : vector<16xi32>
      tpu.vector_store_idx %arg10[%add3A_182, %broadcast_in_dim3A_112], %get3A_178 : memref<512x129xf32, #tpu.memory_space<vmem>>[vector<16xi32>, vector<16xi32>], vector<16xf32>,
      %get3A_183 = arith.constant 192 : index
      %get3A_184 = tpu.vector_load %arg12[%get3A_183] {strides = array<i32>} : memref<512xf32, #tpu.memory_space<vmem>>, vector<16xf32>,
      %iota3A_185 = tpu.iota {dimensions = array<i32: 0>} : vector<16xi32>
      %add3A_186 = arith.constant 192 : i32
      %add3A_187 = vector.broadcast %add3A_186 : i32 to vector<16xi32>
      %add3A_188 = arith.addi %iota3A_185, %add3A_187 : vector<16xi32>
      tpu.vector_store_idx %arg10[%add3A_188, %broadcast_in_dim3A_112], %get3A_184 : memref<512x129xf32, #tpu.memory_space<vmem>>[vector<16xi32>, vector<16xi32>], vector<16xf32>,
      %get3A_189 = arith.constant 208 : index
      %get3A_190 = tpu.vector_load %arg12[%get3A_189] {strides = array<i32>} : memref<512xf32, #tpu.memory_space<vmem>>, vector<16xf32>,
      %iota3A_191 = tpu.iota {dimensions = array<i32: 0>} : vector<16xi32>
      %add3A_192 = arith.constant 208 : i32
      %add3A_193 = vector.broadcast %add3A_192 : i32 to vector<16xi32>
      %add3A_194 = arith.addi %iota3A_191, %add3A_193 : vector<16xi32>
      tpu.vector_store_idx %arg10[%add3A_194, %broadcast_in_dim3A_112], %get3A_190 : memref<512x129xf32, #tpu.memory_space<vmem>>[vector<16xi32>, vector<16xi32>], vector<16xf32>,
      %get3A_195 = arith.constant 224 : index
      %get3A_196 = tpu.vector_load %arg12[%get3A_195] {strides = array<i32>} : memref<512xf32, #tpu.memory_space<vmem>>, vector<16xf32>,
      %iota3A_197 = tpu.iota {dimensions = array<i32: 0>} : vector<16xi32>
      %add3A_198 = arith.constant 224 : i32
      %add3A_199 = vector.broadcast %add3A_198 : i32 to vector<16xi32>
      %add3A_200 = arith.addi %iota3A_197, %add3A_199 : vector<16xi32>
      tpu.vector_store_idx %arg10[%add3A_200, %broadcast_in_dim3A_112], %get3A_196 : memref<512x129xf32, #tpu.memory_space<vmem>>[vector<16xi32>, vector<16xi32>], vector<16xf32>,
      %get3A_201 = arith.constant 240 : index
      %get3A_202 = tpu.vector_load %arg12[%get3A_201] {strides = array<i32>} : memref<512xf32, #tpu.memory_space<vmem>>, vector<16xf32>,
      %iota3A_203 = tpu.iota {dimensions = array<i32: 0>} : vector<16xi32>
      %add3A_204 = arith.constant 240 : i32
      %add3A_205 = vector.broadcast %add3A_204 : i32 to vector<16xi32>
      %add3A_206 = arith.addi %iota3A_203, %add3A_205 : vector<16xi32>
      tpu.vector_store_idx %arg10[%add3A_206, %broadcast_in_dim3A_112], %get3A_202 : memref<512x129xf32, #tpu.memory_space<vmem>>[vector<16xi32>, vector<16xi32>], vector<16xf32>,
      %get3A_207 = arith.constant 256 : index
      %get3A_208 = tpu.vector_load %arg12[%get3A_207] {strides = array<i32>} : memref<512xf32, #tpu.memory_space<vmem>>, vector<16xf32>,
      %iota3A_209 = tpu.iota {dimensions = array<i32: 0>} : vector<16xi32>
      %add3A_210 = arith.constant 256 : i32
      %add3A_211 = vector.broadcast %add3A_210 : i32 to vector<16xi32>
      %add3A_212 = arith.addi %iota3A_209, %add3A_211 : vector<16xi32>
      tpu.vector_store_idx %arg10[%add3A_212, %broadcast_in_dim3A_112], %get3A_208 : memref<512x129xf32, #tpu.memory_space<vmem>>[vector<16xi32>, vector<16xi32>], vector<16xf32>,
      %get3A_213 = arith.constant 272 : index
      %get3A_214 = tpu.vector_load %arg12[%get3A_213] {strides = array<i32>} : memref<512xf32, #tpu.memory_space<vmem>>, vector<16xf32>,
      %iota3A_215 = tpu.iota {dimensions = array<i32: 0>} : vector<16xi32>
      %add3A_216 = arith.constant 272 : i32
      %add3A_217 = vector.broadcast %add3A_216 : i32 to vector<16xi32>
      %add3A_218 = arith.addi %iota3A_215, %add3A_217 : vector<16xi32>
      tpu.vector_store_idx %arg10[%add3A_218, %broadcast_in_dim3A_112], %get3A_214 : memref<512x129xf32, #tpu.memory_space<vmem>>[vector<16xi32>, vector<16xi32>], vector<16xf32>,
      %get3A_219 = arith.constant 288 : index
      %get3A_220 = tpu.vector_load %arg12[%get3A_219] {strides = array<i32>} : memref<512xf32, #tpu.memory_space<vmem>>, vector<16xf32>,
      %iota3A_221 = tpu.iota {dimensions = array<i32: 0>} : vector<16xi32>
      %add3A_222 = arith.constant 288 : i32
      %add3A_223 = vector.broadcast %add3A_222 : i32 to vector<16xi32>
      %add3A_224 = arith.addi %iota3A_221, %add3A_223 : vector<16xi32>
      tpu.vector_store_idx %arg10[%add3A_224, %broadcast_in_dim3A_112], %get3A_220 : memref<512x129xf32, #tpu.memory_space<vmem>>[vector<16xi32>, vector<16xi32>], vector<16xf32>,
      %get3A_225 = arith.constant 304 : index
      %get3A_226 = tpu.vector_load %arg12[%get3A_225] {strides = array<i32>} : memref<512xf32, #tpu.memory_space<vmem>>, vector<16xf32>,
      %iota3A_227 = tpu.iota {dimensions = array<i32: 0>} : vector<16xi32>
      %add3A_228 = arith.constant 304 : i32
      %add3A_229 = vector.broadcast %add3A_228 : i32 to vector<16xi32>
      %add3A_230 = arith.addi %iota3A_227, %add3A_229 : vector<16xi32>
      tpu.vector_store_idx %arg10[%add3A_230, %broadcast_in_dim3A_112], %get3A_226 : memref<512x129xf32, #tpu.memory_space<vmem>>[vector<16xi32>, vector<16xi32>], vector<16xf32>,
      %get3A_231 = arith.constant 320 : index
      %get3A_232 = tpu.vector_load %arg12[%get3A_231] {strides = array<i32>} : memref<512xf32, #tpu.memory_space<vmem>>, vector<16xf32>,
      %iota3A_233 = tpu.iota {dimensions = array<i32: 0>} : vector<16xi32>
      %add3A_234 = arith.constant 320 : i32
      %add3A_235 = vector.broadcast %add3A_234 : i32 to vector<16xi32>
      %add3A_236 = arith.addi %iota3A_233, %add3A_235 : vector<16xi32>
      tpu.vector_store_idx %arg10[%add3A_236, %broadcast_in_dim3A_112], %get3A_232 : memref<512x129xf32, #tpu.memory_space<vmem>>[vector<16xi32>, vector<16xi32>], vector<16xf32>,
      %get3A_237 = arith.constant 336 : index
      %get3A_238 = tpu.vector_load %arg12[%get3A_237] {strides = array<i32>} : memref<512xf32, #tpu.memory_space<vmem>>, vector<16xf32>,
      %iota3A_239 = tpu.iota {dimensions = array<i32: 0>} : vector<16xi32>
      %add3A_240 = arith.constant 336 : i32
      %add3A_241 = vector.broadcast %add3A_240 : i32 to vector<16xi32>
      %add3A_242 = arith.addi %iota3A_239, %add3A_241 : vector<16xi32>
      tpu.vector_store_idx %arg10[%add3A_242, %broadcast_in_dim3A_112], %get3A_238 : memref<512x129xf32, #tpu.memory_space<vmem>>[vector<16xi32>, vector<16xi32>], vector<16xf32>,
      %get3A_243 = arith.constant 352 : index
      %get3A_244 = tpu.vector_load %arg12[%get3A_243] {strides = array<i32>} : memref<512xf32, #tpu.memory_space<vmem>>, vector<16xf32>,
      %iota3A_245 = tpu.iota {dimensions = array<i32: 0>} : vector<16xi32>
      %add3A_246 = arith.constant 352 : i32
      %add3A_247 = vector.broadcast %add3A_246 : i32 to vector<16xi32>
      %add3A_248 = arith.addi %iota3A_245, %add3A_247 : vector<16xi32>
      tpu.vector_store_idx %arg10[%add3A_248, %broadcast_in_dim3A_112], %get3A_244 : memref<512x129xf32, #tpu.memory_space<vmem>>[vector<16xi32>, vector<16xi32>], vector<16xf32>,
      %get3A_249 = arith.constant 368 : index
      %get3A_250 = tpu.vector_load %arg12[%get3A_249] {strides = array<i32>} : memref<512xf32, #tpu.memory_space<vmem>>, vector<16xf32>,
      %iota3A_251 = tpu.iota {dimensions = array<i32: 0>} : vector<16xi32>
      %add3A_252 = arith.constant 368 : i32
      %add3A_253 = vector.broadcast %add3A_252 : i32 to vector<16xi32>
      %add3A_254 = arith.addi %iota3A_251, %add3A_253 : vector<16xi32>
      tpu.vector_store_idx %arg10[%add3A_254, %broadcast_in_dim3A_112], %get3A_250 : memref<512x129xf32, #tpu.memory_space<vmem>>[vector<16xi32>, vector<16xi32>], vector<16xf32>,
      %get3A_255 = arith.constant 384 : index
      %get3A_256 = tpu.vector_load %arg12[%get3A_255] {strides = array<i32>} : memref<512xf32, #tpu.memory_space<vmem>>, vector<16xf32>,
      %iota3A_257 = tpu.iota {dimensions = array<i32: 0>} : vector<16xi32>
      %add3A_258 = arith.constant 384 : i32
      %add3A_259 = vector.broadcast %add3A_258 : i32 to vector<16xi32>
      %add3A_260 = arith.addi %iota3A_257, %add3A_259 : vector<16xi32>
      tpu.vector_store_idx %arg10[%add3A_260, %broadcast_in_dim3A_112], %get3A_256 : memref<512x129xf32, #tpu.memory_space<vmem>>[vector<16xi32>, vector<16xi32>], vector<16xf32>,
      %get3A_261 = arith.constant 400 : index
      %get3A_262 = tpu.vector_load %arg12[%get3A_261] {strides = array<i32>} : memref<512xf32, #tpu.memory_space<vmem>>, vector<16xf32>,
      %iota3A_263 = tpu.iota {dimensions = array<i32: 0>} : vector<16xi32>
      %add3A_264 = arith.constant 400 : i32
      %add3A_265 = vector.broadcast %add3A_264 : i32 to vector<16xi32>
      %add3A_266 = arith.addi %iota3A_263, %add3A_265 : vector<16xi32>
      tpu.vector_store_idx %arg10[%add3A_266, %broadcast_in_dim3A_112], %get3A_262 : memref<512x129xf32, #tpu.memory_space<vmem>>[vector<16xi32>, vector<16xi32>], vector<16xf32>,
      %get3A_267 = arith.constant 416 : index
      %get3A_268 = tpu.vector_load %arg12[%get3A_267] {strides = array<i32>} : memref<512xf32, #tpu.memory_space<vmem>>, vector<16xf32>,
      %iota3A_269 = tpu.iota {dimensions = array<i32: 0>} : vector<16xi32>
      %add3A_270 = arith.constant 416 : i32
      %add3A_271 = vector.broadcast %add3A_270 : i32 to vector<16xi32>
      %add3A_272 = arith.addi %iota3A_269, %add3A_271 : vector<16xi32>
      tpu.vector_store_idx %arg10[%add3A_272, %broadcast_in_dim3A_112], %get3A_268 : memref<512x129xf32, #tpu.memory_space<vmem>>[vector<16xi32>, vector<16xi32>], vector<16xf32>,
      %get3A_273 = arith.constant 432 : index
      %get3A_274 = tpu.vector_load %arg12[%get3A_273] {strides = array<i32>} : memref<512xf32, #tpu.memory_space<vmem>>, vector<16xf32>,
      %iota3A_275 = tpu.iota {dimensions = array<i32: 0>} : vector<16xi32>
      %add3A_276 = arith.constant 432 : i32
      %add3A_277 = vector.broadcast %add3A_276 : i32 to vector<16xi32>
      %add3A_278 = arith.addi %iota3A_275, %add3A_277 : vector<16xi32>
      tpu.vector_store_idx %arg10[%add3A_278, %broadcast_in_dim3A_112], %get3A_274 : memref<512x129xf32, #tpu.memory_space<vmem>>[vector<16xi32>, vector<16xi32>], vector<16xf32>,
      %get3A_279 = arith.constant 448 : index
      %get3A_280 = tpu.vector_load %arg12[%get3A_279] {strides = array<i32>} : memref<512xf32, #tpu.memory_space<vmem>>, vector<16xf32>,
      %iota3A_281 = tpu.iota {dimensions = array<i32: 0>} : vector<16xi32>
      %add3A_282 = arith.constant 448 : i32
      %add3A_283 = vector.broadcast %add3A_282 : i32 to vector<16xi32>
      %add3A_284 = arith.addi %iota3A_281, %add3A_283 : vector<16xi32>
      tpu.vector_store_idx %arg10[%add3A_284, %broadcast_in_dim3A_112], %get3A_280 : memref<512x129xf32, #tpu.memory_space<vmem>>[vector<16xi32>, vector<16xi32>], vector<16xf32>,
      %get3A_285 = arith.constant 464 : index
      %get3A_286 = tpu.vector_load %arg12[%get3A_285] {strides = array<i32>} : memref<512xf32, #tpu.memory_space<vmem>>, vector<16xf32>,
      %iota3A_287 = tpu.iota {dimensions = array<i32: 0>} : vector<16xi32>
      %add3A_288 = arith.constant 464 : i32
      %add3A_289 = vector.broadcast %add3A_288 : i32 to vector<16xi32>
      %add3A_290 = arith.addi %iota3A_287, %add3A_289 : vector<16xi32>
      tpu.vector_store_idx %arg10[%add3A_290, %broadcast_in_dim3A_112], %get3A_286 : memref<512x129xf32, #tpu.memory_space<vmem>>[vector<16xi32>, vector<16xi32>], vector<16xf32>,
      %get3A_291 = arith.constant 480 : index
      %get3A_292 = tpu.vector_load %arg12[%get3A_291] {strides = array<i32>} : memref<512xf32, #tpu.memory_space<vmem>>, vector<16xf32>,
      %iota3A_293 = tpu.iota {dimensions = array<i32: 0>} : vector<16xi32>
      %add3A_294 = arith.constant 480 : i32
      %add3A_295 = vector.broadcast %add3A_294 : i32 to vector<16xi32>
      %add3A_296 = arith.addi %iota3A_293, %add3A_295 : vector<16xi32>
      tpu.vector_store_idx %arg10[%add3A_296, %broadcast_in_dim3A_112], %get3A_292 : memref<512x129xf32, #tpu.memory_space<vmem>>[vector<16xi32>, vector<16xi32>], vector<16xf32>,
      %get3A_297 = arith.constant 496 : index
      %get3A_298 = tpu.vector_load %arg12[%get3A_297] {strides = array<i32>} : memref<512xf32, #tpu.memory_space<vmem>>, vector<16xf32>,
      %iota3A_299 = tpu.iota {dimensions = array<i32: 0>} : vector<16xi32>
      %add3A_300 = arith.constant 496 : i32
      %add3A_301 = vector.broadcast %add3A_300 : i32 to vector<16xi32>
      %add3A_302 = arith.addi %iota3A_299, %add3A_301 : vector<16xi32>
      tpu.vector_store_idx %arg10[%add3A_302, %broadcast_in_dim3A_112], %get3A_298 : memref<512x129xf32, #tpu.memory_space<vmem>>[vector<16xi32>, vector<16xi32>], vector<16xf32>,
      "tpu.region"() ({
        %run_scoped3A = tpu.sem_alloc : memref<!tpu.dma_semaphore, #tpu.memory_space<semaphore_mem>>
        %dma_start3A_303 = arith.constant 0 : i32
        %dma_start3A_304 = tpu.memref_slice %arg7[%add3A_17, %dma_start3A_303] : memref<819200x129xf32, #tpu.memory_space<hbm>> -> memref<512x129xf32, #tpu.memory_space<hbm>>
        %dma_start3A_305 = arith.constant 0 : i32
        %dma_start3A_306 = tpu.memref_slice %arg7[%add3A_17, %dma_start3A_305] : memref<819200x129xf32, #tpu.memory_space<hbm>> -> memref<512x129xf32, #tpu.memory_space<hbm>>
        tpu.enqueue_dma source(%arg10 : memref<512x129xf32, #tpu.memory_space<vmem>>) target(%dma_start3A_306 : memref<512x129xf32, #tpu.memory_space<hbm>>) target_semaphore(%run_scoped3A : memref<!tpu.dma_semaphore, #tpu.memory_space<semaphore_mem>>)
        %dma_wait3A_307 = arith.constant 0 : i32
        %dma_wait3A_308 = tpu.memref_slice %arg7[%add3A_17, %dma_wait3A_307] : memref<819200x129xf32, #tpu.memory_space<hbm>> -> memref<512x129xf32, #tpu.memory_space<hbm>>
        %dma_wait3A_309 = arith.constant 0 : i32
        %dma_wait3A_310 = tpu.memref_slice %arg7[%add3A_17, %dma_wait3A_309] : memref<819200x129xf32, #tpu.memory_space<hbm>> -> memref<512x129xf32, #tpu.memory_space<hbm>>
        tpu.wait_dma2 semaphore(%run_scoped3A : memref<!tpu.dma_semaphore, #tpu.memory_space<semaphore_mem>>) src(%arg10 : memref<512x129xf32, #tpu.memory_space<vmem>>) dst(%dma_wait3A_310 : memref<512x129xf32, #tpu.memory_space<hbm>>)
        tpu.yield
      }) : () -> ()
    }
    %scan3A_5 = arith.constant 50 : i32
    %scan3A_6 = arith.constant 0 : i32
    %scan3A_7 = arith.constant 0 : i32
    %scan3A_8 = arith.constant 25 : i32
    %scan3A_9 = arith.addi %scan3A_7, %scan3A_8 : i32
    %scan3A_10 = arith.constant 1 : i32
    scf.for %scan3A_12 = %scan3A_7 to %scan3A_9 step %scan3A_10  : i32 {
      %mul3A_13 = arith.constant 6400 : i32
      %mul3A_14 = arith.muli %add3A, %mul3A_13 : i32
      %mul3A_15 = arith.constant 256 : i32
      %mul3A_16 = arith.muli %scan3A_12, %mul3A_15 : i32
      %add3A_17 = arith.addi %mul3A_14, %mul3A_16 : i32
      %jit3A = arith.constant 128 : i32
      %div3A = arith.divsi %add3A_17, %jit3A : i32
      %sign3A = arith.constant 0 : i32
      %sign3A_18 = arith.cmpi sgt, %add3A_17, %sign3A : i32
      %sign3A_19 = arith.extui %sign3A_18 : i1 to i32
      %sign3A_20 = arith.constant 0 : i32
      %sign3A_21 = arith.cmpi slt, %add3A_17, %sign3A_20 : i32
      %sign3A_22 = arith.extui %sign3A_21 : i1 to i32
      %sign3A_23 = arith.subi %sign3A_19, %sign3A_22 : i32
      %sign3A_24 = arith.constant 0 : i32
      %sign3A_25 = arith.cmpi sgt, %jit3A, %sign3A_24 : i32
      %sign3A_26 = arith.extui %sign3A_25 : i1 to i32
      %sign3A_27 = arith.constant 0 : i32
      %sign3A_28 = arith.cmpi slt, %jit3A, %sign3A_27 : i32
      %sign3A_29 = arith.extui %sign3A_28 : i1 to i32
      %sign3A_30 = arith.subi %sign3A_26, %sign3A_29 : i32
      %ne3A = arith.cmpi ne, %sign3A_23, %sign3A_30 : i32
      %rem3A = arith.remsi %add3A_17, %jit3A : i32
      %ne3A_31 = arith.constant 0 : i32
      %ne3A_32 = arith.cmpi ne, %rem3A, %ne3A_31 : i32
      %and3A = arith.andi %ne3A, %ne3A_32 : i1
      %sub3A = arith.constant 1 : i32
      %sub3A_33 = arith.subi %div3A, %sub3A : i32
      %select_n3A = arith.select %and3A, %sub3A_33, %div3A : i32
      "tpu.region"() ({
        %run_scoped3A = tpu.sem_alloc : memref<!tpu.dma_semaphore, #tpu.memory_space<semaphore_mem>>
        %dma_start3A_72 = arith.constant 0 : i32
        %dma_start3A_73 = arith.constant 0 : i32
        %dma_start3A_74 = tpu.memref_slice %arg9[%dma_start3A_72, %dma_start3A_73] : memref<4x128xi32, #tpu.memory_space<vmem>> -> memref<2x128xi32, #tpu.memory_space<vmem>>
        %dma_start3A_75 = arith.constant 0 : i32
        %dma_start3A_76 = tpu.memref_slice %arg5[%select_n3A, %dma_start3A_75] : memref<1600x128xi32, #tpu.memory_space<hbm>> -> memref<2x128xi32, #tpu.memory_space<hbm>>
        %dma_start3A_77 = arith.constant 0 : i32
        %dma_start3A_78 = arith.constant 0 : i32
        %dma_start3A_79 = tpu.memref_slice %arg9[%dma_start3A_77, %dma_start3A_78] : memref<4x128xi32, #tpu.memory_space<vmem>> -> memref<2x128xi32, #tpu.memory_space<vmem>>
        %dma_start3A_80 = arith.constant 0 : i32
        %dma_start3A_81 = tpu.memref_slice %arg5[%select_n3A, %dma_start3A_80] : memref<1600x128xi32, #tpu.memory_space<hbm>> -> memref<2x128xi32, #tpu.memory_space<hbm>>
        tpu.enqueue_dma source(%dma_start3A_81 : memref<2x128xi32, #tpu.memory_space<hbm>>) target(%dma_start3A_79 : memref<2x128xi32, #tpu.memory_space<vmem>>) target_semaphore(%run_scoped3A : memref<!tpu.dma_semaphore, #tpu.memory_space<semaphore_mem>>)
        %dma_wait3A_82 = arith.constant 0 : i32
        %dma_wait3A_83 = arith.constant 0 : i32
        %dma_wait3A_84 = tpu.memref_slice %arg9[%dma_wait3A_82, %dma_wait3A_83] : memref<4x128xi32, #tpu.memory_space<vmem>> -> memref<2x128xi32, #tpu.memory_space<vmem>>
        %dma_wait3A_85 = arith.constant 0 : i32
        %dma_wait3A_86 = tpu.memref_slice %arg5[%select_n3A, %dma_wait3A_85] : memref<1600x128xi32, #tpu.memory_space<hbm>> -> memref<2x128xi32, #tpu.memory_space<hbm>>
        %dma_wait3A_87 = arith.constant 0 : i32
        %dma_wait3A_88 = arith.constant 0 : i32
        %dma_wait3A_89 = tpu.memref_slice %arg9[%dma_wait3A_87, %dma_wait3A_88] : memref<4x128xi32, #tpu.memory_space<vmem>> -> memref<2x128xi32, #tpu.memory_space<vmem>>
        %dma_wait3A_90 = arith.constant 0 : i32
        %dma_wait3A_91 = tpu.memref_slice %arg5[%select_n3A, %dma_wait3A_90] : memref<1600x128xi32, #tpu.memory_space<hbm>> -> memref<2x128xi32, #tpu.memory_space<hbm>>
        tpu.wait_dma2 semaphore(%run_scoped3A : memref<!tpu.dma_semaphore, #tpu.memory_space<semaphore_mem>>) src(%dma_wait3A_91 : memref<2x128xi32, #tpu.memory_space<hbm>>) dst(%dma_wait3A_89 : memref<2x128xi32, #tpu.memory_space<vmem>>)
        tpu.yield
      }) : () -> ()
      %dma_start3A = arith.constant 0 : i32
      %dma_start3A_34 = arith.constant 0 : i32
      %dma_start3A_35 = arith.constant 0 : i32
      %dma_start3A_36 = tpu.memref_slice %arg11[%dma_start3A_34, %dma_start3A_35] : memref<256x128xf32, #tpu.memory_space<vmem>> -> memref<128x128xf32, #tpu.memory_space<vmem>>
      %dma_start3A_37 = arith.constant 0 : i32
      %dma_start3A_38 = tpu.memref_slice %arg9[%dma_start3A, %dma_start3A_37] : memref<4x128xi32, #tpu.memory_space<vmem>> -> memref<1x128xi32, #tpu.memory_space<vmem>>
      %dma_start3A_39 = tpu.memref_squeeze %dma_start3A_38 : memref<1x128xi32, #tpu.memory_space<vmem>> -> memref<128xi32, #tpu.memory_space<vmem>>
      %dma_start3A_40 = arith.constant 0 : i32
      %dma_start3A_41 = arith.constant 0 : i32
      %dma_start3A_42 = tpu.memref_slice %arg3[%dma_start3A_40, %dma_start3A_41] : memref<2048x128xf32, #tpu.memory_space<hbm>> -> memref<2048x128xf32, #tpu.memory_space<hbm>>
      tpu.enqueue_indirect_dma source(%dma_start3A_42 : memref<2048x128xf32, #tpu.memory_space<hbm>>) target(%dma_start3A_36 : memref<128x128xf32, #tpu.memory_space<vmem>>) offsets(%dma_start3A_39 : memref<128xi32, #tpu.memory_space<vmem>>) semaphore(%arg13 : memref<!tpu.dma_semaphore, #tpu.memory_space<semaphore_mem>>)
      %dma_start3A_43 = arith.constant 1 : i32
      %dma_start3A_44 = arith.constant 128 : i32
      %dma_start3A_45 = arith.constant 0 : i32
      %dma_start3A_46 = tpu.memref_slice %arg11[%dma_start3A_44, %dma_start3A_45] : memref<256x128xf32, #tpu.memory_space<vmem>> -> memref<128x128xf32, #tpu.memory_space<vmem>>
      %dma_start3A_47 = arith.constant 0 : i32
      %dma_start3A_48 = tpu.memref_slice %arg9[%dma_start3A_43, %dma_start3A_47] : memref<4x128xi32, #tpu.memory_space<vmem>> -> memref<1x128xi32, #tpu.memory_space<vmem>>
      %dma_start3A_49 = tpu.memref_squeeze %dma_start3A_48 : memref<1x128xi32, #tpu.memory_space<vmem>> -> memref<128xi32, #tpu.memory_space<vmem>>
      %dma_start3A_50 = arith.constant 0 : i32
      %dma_start3A_51 = arith.constant 0 : i32
      %dma_start3A_52 = tpu.memref_slice %arg3[%dma_start3A_50, %dma_start3A_51] : memref<2048x128xf32, #tpu.memory_space<hbm>> -> memref<2048x128xf32, #tpu.memory_space<hbm>>
      tpu.enqueue_indirect_dma source(%dma_start3A_52 : memref<2048x128xf32, #tpu.memory_space<hbm>>) target(%dma_start3A_46 : memref<128x128xf32, #tpu.memory_space<vmem>>) offsets(%dma_start3A_49 : memref<128xi32, #tpu.memory_space<vmem>>) semaphore(%arg13 : memref<!tpu.dma_semaphore, #tpu.memory_space<semaphore_mem>>)
      %dma_wait3A = arith.constant 0 : i32
      %dma_wait3A_53 = arith.constant 0 : i32
      %dma_wait3A_54 = arith.constant 0 : i32
      %dma_wait3A_55 = tpu.memref_slice %arg11[%dma_wait3A_53, %dma_wait3A_54] : memref<256x128xf32, #tpu.memory_space<vmem>> -> memref<128x128xf32, #tpu.memory_space<vmem>>
      %dma_wait3A_56 = arith.constant 0 : i32
      %dma_wait3A_57 = tpu.memref_slice %arg9[%dma_wait3A, %dma_wait3A_56] : memref<4x128xi32, #tpu.memory_space<vmem>> -> memref<1x128xi32, #tpu.memory_space<vmem>>
      %dma_wait3A_58 = tpu.memref_squeeze %dma_wait3A_57 : memref<1x128xi32, #tpu.memory_space<vmem>> -> memref<128xi32, #tpu.memory_space<vmem>>
      %dma_wait3A_59 = arith.constant 0 : i32
      %dma_wait3A_60 = arith.constant 0 : i32
      %dma_wait3A_61 = tpu.memref_slice %arg3[%dma_wait3A_59, %dma_wait3A_60] : memref<2048x128xf32, #tpu.memory_space<hbm>> -> memref<2048x128xf32, #tpu.memory_space<hbm>>
      tpu.wait_indirect_dma semaphore(%arg13 : memref<!tpu.dma_semaphore, #tpu.memory_space<semaphore_mem>>) src(%dma_wait3A_61 : memref<2048x128xf32, #tpu.memory_space<hbm>>) dst(%dma_wait3A_55 : memref<128x128xf32, #tpu.memory_space<vmem>>)
      %dma_wait3A_62 = arith.constant 1 : i32
      %dma_wait3A_63 = arith.constant 128 : i32
      %dma_wait3A_64 = arith.constant 0 : i32
      %dma_wait3A_65 = tpu.memref_slice %arg11[%dma_wait3A_63, %dma_wait3A_64] : memref<256x128xf32, #tpu.memory_space<vmem>> -> memref<128x128xf32, #tpu.memory_space<vmem>>
      %dma_wait3A_66 = arith.constant 0 : i32
      %dma_wait3A_67 = tpu.memref_slice %arg9[%dma_wait3A_62, %dma_wait3A_66] : memref<4x128xi32, #tpu.memory_space<vmem>> -> memref<1x128xi32, #tpu.memory_space<vmem>>
      %dma_wait3A_68 = tpu.memref_squeeze %dma_wait3A_67 : memref<1x128xi32, #tpu.memory_space<vmem>> -> memref<128xi32, #tpu.memory_space<vmem>>
      %dma_wait3A_69 = arith.constant 0 : i32
      %dma_wait3A_70 = arith.constant 0 : i32
      %dma_wait3A_71 = tpu.memref_slice %arg3[%dma_wait3A_69, %dma_wait3A_70] : memref<2048x128xf32, #tpu.memory_space<hbm>> -> memref<2048x128xf32, #tpu.memory_space<hbm>>
      tpu.wait_indirect_dma semaphore(%arg13 : memref<!tpu.dma_semaphore, #tpu.memory_space<semaphore_mem>>) src(%dma_wait3A_71 : memref<2048x128xf32, #tpu.memory_space<hbm>>) dst(%dma_wait3A_65 : memref<128x128xf32, #tpu.memory_space<vmem>>)
      "tpu.region"() ({
        %run_scoped3A = tpu.sem_alloc : memref<!tpu.dma_semaphore, #tpu.memory_space<semaphore_mem>>
        %dma_start3A_72 = arith.constant 0 : i32
        %dma_start3A_73 = tpu.memref_slice %arg8[%add3A_17, %dma_start3A_72] : memref<204800x128xf32, #tpu.memory_space<hbm>> -> memref<256x128xf32, #tpu.memory_space<hbm>>
        %dma_start3A_74 = arith.constant 0 : i32
        %dma_start3A_75 = tpu.memref_slice %arg8[%add3A_17, %dma_start3A_74] : memref<204800x128xf32, #tpu.memory_space<hbm>> -> memref<256x128xf32, #tpu.memory_space<hbm>>
        tpu.enqueue_dma source(%arg11 : memref<256x128xf32, #tpu.memory_space<vmem>>) target(%dma_start3A_75 : memref<256x128xf32, #tpu.memory_space<hbm>>) target_semaphore(%run_scoped3A : memref<!tpu.dma_semaphore, #tpu.memory_space<semaphore_mem>>)
        %dma_wait3A_76 = arith.constant 0 : i32
        %dma_wait3A_77 = tpu.memref_slice %arg8[%add3A_17, %dma_wait3A_76] : memref<204800x128xf32, #tpu.memory_space<hbm>> -> memref<256x128xf32, #tpu.memory_space<hbm>>
        %dma_wait3A_78 = arith.constant 0 : i32
        %dma_wait3A_79 = tpu.memref_slice %arg8[%add3A_17, %dma_wait3A_78] : memref<204800x128xf32, #tpu.memory_space<hbm>> -> memref<256x128xf32, #tpu.memory_space<hbm>>
        tpu.wait_dma2 semaphore(%run_scoped3A : memref<!tpu.dma_semaphore, #tpu.memory_space<semaphore_mem>>) src(%arg11 : memref<256x128xf32, #tpu.memory_space<vmem>>) dst(%dma_wait3A_79 : memref<256x128xf32, #tpu.memory_space<hbm>>)
        tpu.yield
      }) : () -> ()
    }
    %scan3A_11 = arith.constant 25 : i32
    return
  }
}

</mosaic_0001>

<sc_bundles>
// kernel: kernel.3.cloned.1.call-start
scs
__scs_entry_jumppad:
0x0: {  	(pc) =	sbr.rel $0x88, $3  }
0x1: {  	(tag) =	ssettag $0x0;
	lr =	simm.s32 $0x1  }
0x2: {  	[smem:$0x3F9D] =	sst lr;
	_ =	strace $0xD0000000  }
0x3: {  	_ = 	snop  }
0x4: {  	_ = 	snop  }
0x5: {  	_ = 	snop  }
0x6: {  	_ = 	snop  }
0x7: {  	_ = 	snop  }
__scs_overlays_trampoline_lowered:
0x8: {  	[smem:$0x3FAC] =	sst s0  }
0x9: {  	[smem:$0x3FAD] =	sst s1  }
0xa: {  	[smem:$0x3FAE] =	sst s2  }
0xb: {  	[smem:$0x3FAF] =	sst s3  }
0xc: {  	[smem:$0x3FB0] =	sst s4  }
0xd: {  	[smem:$0x3FB1] =	sst s5  }
0xe: {  	[smem:$0x3FB2] =	sst s6  }
0xf: {  	[smem:$0x3FB3] =	sst s7  }
0x10: {  	[smem:$0x3FB4] =	sst s8  }
0x11: {  	[smem:$0x3FB5] =	sst s9;
	s0 =	simm.s32 @!p0 $0x0  }
0x12: {  	s1 =	sld [smem:$0x3F9B];
	s0 =	simm.s32 @p0 $0x1  }
0x13: {  	[smem:$0x3FB6] =	sst s0;
	s0 =	simm.s32 @!p1 $0x0  }
0x14: {  	s2 =	sld [smem:$0x3F9A];
	s0 =	simm.s32 @p1 $0x1  }
0x15: {  	[smem:$0x3FB7] =	sst s0;
	s0 =	simm.s32 @!p2 $0x0  }
0x16: {  	s3 =	sld [smem:$0x3FDB];
	s0 =	simm.s32 @p2 $0x1  }
0x17: {  	s4 =	simm.s32 $0x1BF5;
	[smem:$0x3FB9] =	sst s0  }
0x18: {  	s0 =	sld [smem:$0x3F9C];
	_ =	swait.ge [sflag:s4], $0x0  }
0x19: {  	s7 =	sld [smem:$0x3F9D]  }
0x1a: {  	s8 =	sadd.s32 $0xFFFFE003, lr  }
0x1b: {  	s9 =	sadd.s32 $0xFFFFFEF7, lr;
	s5 =	simm.s32 $0xFFFFFFFF;
	p2 =	slt.u32 s8, $0xFFFFF086  }
0x1c: {  	p1 =	slt.u32 s9, $0xF7A;
	s5 =	simm.s32 @!p2 $0x0  }
0x1d: {  	s5 =	simm.s32 @p1 $0x1;
	p0 =	seq.s32 s7, s2  }
0x1e: {  	s7 =	smul.u32 @!p0 $0xF7A, s2;
	p2 =	seq.s32 @!p0 s5, $0x0  }
0x1f: {  	s9 =	smul.u32 $0xF7A, s1;
	s8 =	simm.s32 @!p0 $0x1BF5;
	p2 =	por !p2, p0  }
0x20: {  	[sflag:s8] =	ssyncset.s32 @!p0 $0xFFFFF086;
	s6 =	sadd.s32 @!p0 s3, s7;
	s7 =	simm.s32 @!p0 $0x108  }
0x21: {  	s3 =	sadd.s32 s3, s9;
	s6 =	sadd.s32 @!p0 $0x88, s6;
	s7 =	simm.s32 @p2 $0x1082  }
0x22: {  	[simem:s7], [sflag:s8] =	dma.local @!p0 [hbm:s6], $0xF7A  }
0x23: {  	s9 =	sor.u32 $0xD0000000, s2;
	s6 =	simm.s32 $0x108;
	_ =	swait.ge @!p0 [sflag:s8], $0x0  }
0x24: {  	s3 =	sadd.s32 $0x88, s3;
	s6 =	simm.s32 @!p1 $0x1082;
	[sflag:s4] =	ssyncset.s32 $0xFFFFF086  }
0x25: {  	[simem:s6], [sflag:s4] =	dma.local [hbm:s3], $0xF7A  }
0x26: {  	[smem:$0x3F9D] =	sst s1;
	(tag) =	ssettag s2;
	_ =	strace s9  }
0x27: {  	s1 =	sld [smem:$0x3FAD]  }
0x28: {  	s2 =	sld [smem:$0x3FAE]  }
0x29: {  	s4 =	sld [smem:$0x3FB0]  }
0x2a: {  	p0 =	seq.s32 s5, $0x0;
	s5 =	sld [smem:$0x3FB1]  }
0x2b: {  	s6 =	sld [smem:$0x3FB2]  }
0x2c: {  	s7 =	sld [smem:$0x3FB3]  }
0x2d: {  	s3 =	simm.s32 $0x108;
	s8 =	sld [smem:$0x3FB4]  }
0x2e: {  	s3 =	simm.s32 @!p0 $0x1082;
	s9 =	sld [smem:$0x3FB5]  }
0x2f: {  	lr =	sadd.s32 s0, s3;
	s0 =	sld [smem:$0x3FAC]  }
0x30: {  	s3 =	sld [smem:$0x3FAF]  }
0x31: {  	[smem:$0x3FB8] =	sst s10  }
0x32: {  	s10 =	sld [smem:$0x3FB6];
	_ =	sdelay $0x3  }
0x33: {  	p0 =	seq.s32 s10, $0x1;
	s10 =	sld [smem:$0x3FB8];
	_ =	sdelay $0x3  }
0x34: {  	[smem:$0x3FB8] =	sst s10  }
0x35: {  	s10 =	sld [smem:$0x3FB7];
	_ =	sdelay $0x3  }
0x36: {  	p1 =	seq.s32 s10, $0x1;
	s10 =	sld [smem:$0x3FB8];
	_ =	sdelay $0x3  }
0x37: {  	[smem:$0x3FB8] =	sst s10  }
0x38: {  	s10 =	sld [smem:$0x3FB9]  }
0x39: {  	_ = 	snop;
	(pc) =	sbr.ind lr, $3  }
0x3a: {  	_ = 	snop  }
0x3b: {  	_ = 	snop  }
0x3c: {  	p2 =	seq.s32 s10, $0x1;
	s10 =	sld [smem:$0x3FB8]  }
0x3d: {  	_ =	shalt  }
0x3e: {  	_ =	shalt  }
0x3f: {  	_ =	shalt  }
0x40: {  	_ =	shalt  }
0x41: {  	_ =	shalt  }
0x42: {  	_ =	shalt  }
0x43: {  	_ =	shalt  }
0x44: {  	_ =	shalt  }
0x45: {  	_ =	shalt  }
0x46: {  	_ =	shalt  }
0x47: {  	_ =	shalt  }
0x48: {  	_ =	shalt  }
0x49: {  	_ =	shalt  }
0x4a: {  	_ =	shalt  }
0x4b: {  	_ =	shalt  }
0x4c: {  	_ =	shalt  }
0x4d: {  	_ =	shalt  }
0x4e: {  	_ =	shalt  }
0x4f: {  	_ =	shalt  }
0x50: {  	_ =	shalt  }
0x51: {  	_ =	shalt  }
0x52: {  	_ =	shalt  }
0x53: {  	_ =	shalt  }
0x54: {  	_ =	shalt  }
0x55: {  	_ =	shalt  }
0x56: {  	_ =	shalt  }
0x57: {  	_ =	shalt  }
0x58: {  	_ =	shalt  }
0x59: {  	_ =	shalt  }
0x5a: {  	_ =	shalt  }
0x5b: {  	_ =	shalt  }
0x5c: {  	_ =	shalt  }
0x5d: {  	_ =	shalt  }
0x5e: {  	_ =	shalt  }
0x5f: {  	_ =	shalt  }
0x60: {  	_ =	shalt  }
0x61: {  	_ =	shalt  }
0x62: {  	_ =	shalt  }
0x63: {  	_ =	shalt  }
0x64: {  	_ =	shalt  }
0x65: {  	_ =	shalt  }
0x66: {  	_ =	shalt  }
0x67: {  	_ =	shalt  }
0x68: {  	_ =	shalt  }
0x69: {  	_ =	shalt  }
0x6a: {  	_ =	shalt  }
0x6b: {  	_ =	shalt  }
0x6c: {  	_ =	shalt  }
0x6d: {  	_ =	shalt  }
0x6e: {  	_ =	shalt  }
0x6f: {  	_ =	shalt  }
0x70: {  	_ =	shalt  }
0x71: {  	_ =	shalt  }
0x72: {  	_ =	shalt  }
0x73: {  	_ =	shalt  }
0x74: {  	_ =	shalt  }
0x75: {  	_ =	shalt  }
0x76: {  	_ =	shalt  }
0x77: {  	_ =	shalt  }
0x78: {  	_ =	shalt  }
0x79: {  	_ =	shalt  }
0x7a: {  	_ =	shalt  }
0x7b: {  	_ =	shalt  }
0x7c: {  	_ =	shalt  }
0x7d: {  	_ =	shalt  }
0x7e: {  	_ =	shalt  }
0x7f: {  	_ =	shalt  }
0x80: {  	_ =	shalt  }
0x81: {  	_ =	shalt  }
0x82: {  	_ =	shalt  }
0x83: {  	_ =	shalt  }
0x84: {  	_ =	shalt  }
0x85: {  	_ =	shalt  }
0x86: {  	_ =	shalt  }
0x87: {  	_ =	shalt  }
.Lfunc_end0:
.L_simem_size_0:
called_computation.2_lowered:
.L_overlay_start_0:
0x88: {  	s2 =	sld [smem:$0x3FD9]  }
0x89: {  	s3 =	sld [smem:$0x3FFE];
	_ =	sdelay $0x1  }
0x8a: {  	s1 =	srdreg.scid  }
0x8b: {  	s0 =	sand.u32 $0x1, s1  }
0x8c: {  	s14 =	sshll.u32 s0, $0xA;
	s2 =	sadd.s32 s3, s2  }
0x8d: {  	s2 =	sadd.s32 s2, s14  }
0x8e: {  	[smem:$0x3FC4] =	sst s2  }
0x8f: {  	_ = 	snop  }
0x90: {  	s2 =	sld [smem:$0x3FD0];
	_ =	sdelay $0x2  }
0x91: {  	s4 =	simm.s32 $0xB;
	s5 =	simm.s32 $0x10;
	s15 =	sld [smem:$0x3FC6]  }
0x92: {  	[smem:s5], [sflag:s4] =	dma.local [hbm:s2], $0x1  }
0x93: {  	_ =	swait.eq [sflag:s4], $0x1  }
0x94: {  	[sflag:s4] =	ssyncset.done $0x0  }
0x95: {  	s16 =	sld [smem:$0x10];
	[sflag:s4] =	ssyncadd.s32 $0xFFFFFFFF  }
0x96: {  	s17 =	sld [smem:$0x11];
	(tm) =	ssettm $0x1  }
0x97: {  	s18 =	sld [smem:$0x3FFB];
	_ =	sdelay $0x3  }
0x98: {  	_ =	strace s18  }
0x99: {  	s5 =	sld [smem:$0x3FFC];
	_ =	sdelay $0x3  }
0x9a: {  	_ =	strace s5  }
0x9b: {  	s5 =	sld [smem:$0x3FFD];
	_ =	sdelay $0x3  }
0x9c: {  	_ =	strace s5  }
0x9d: {  	_ =	strace $0x8FFFFFFF  }
0x9e: {  	s19 =	sld [smem:$0x3FDB];
	_ =	sdelay $0x1  }
0x9f: {  	s6 =	simm.s32 $_scs_section_size  }
0xa0: {  	s7 =	simm.s32 $_size__tile_overlayer_lowered;
	s8 =	simm.s32 $_tile_overlayer_lowered  }
0xa1: {  	s22 =	simm.s32 $0x1BFF;
	s21 =	sshll.u32 s8, $0x1;
	s5 =	sadd.s32 s6, s19  }
0xa2: {  	s9 =	simm.s32 $0x0;
	s20 =	sshll.u32 s7, $0x1;
	s7 =	sadd.s32 s21, s5  }
0xa3: {  	[timem:s9], [sflag:s22] =	dma.local [hbm:s7], s20  }
0xa4: {  	_ =	swait.ge [sflag:s22], s20  }
0xa5: {  	s6 =	ssub.s32 $0x0, s20;
	[sflag:s22] =	ssyncset.done $0x0  }
0xa6: {  	[sflag:s22] =	ssyncadd.s32 s6;
	_ =	sdelay $0x1  }
0xa7: {  	s23 =	simm.s32 $0x1B8B  }
0xa8: {  	_ =	swait.ge [sflag:s23], $0x1  }
0xa9: {  	[sflag:s23] =	ssyncset.done $0x0  }
0xaa: {  	s25 =	simm.s32 $0x1B8E;
	s24 =	sld [smem:$0x3FFE];
	[sflag:s23] =	ssyncadd.s32 $0xFFFFFFFF  }
0xab: {  	s26 =	simm.s32 $execute0_lowered;
	[smem:$0x3FD2] =	sst s25  }
0xac: {  	s7 =	sshll.u32 s26, $0x1;
	_ =	strace $0x80000046;
	[dreg:$0x1] =	wrdreg $0xFFFFFFFF  }
0xad: {  	s28 =	simm.s32 $_size_execute0_lowered;
	s5 =	sadd.s32 s5, s7;
	[dreg:$0x0] =	wrdreg $0x0  }
0xae: {  	s7 =	sshll.u32 s28, $0x1;
	[dreg:$0x2] =	wrdreg s5  }
0xaf: {  	[dreg:$0x3] =	wrdreg s7  }
0xb0: {  	[dreg:$0x4] =	wrdreg $0xC0  }
0xb1: {  	_ =	task [dreg:s9], $0x5FFFF  }
0xb2: {  	[dreg:$0x1] =	wrdreg $0xFFFFFFFF  }
0xb3: {  	[dreg:$0x0] =	wrdreg $0x60  }
0xb4: {  	[dreg:$0x2] =	wrdreg s24  }
0xb5: {  	[dreg:$0x3] =	wrdreg s15  }
0xb6: {  	[dreg:$0x4] =	wrdreg s16  }
0xb7: {  	[dreg:$0x5] =	wrdreg s17  }
0xb8: {  	[dreg:$0x6] =	wrdreg $0x9  }
0xb9: {  	_ =	task.clear_ibuf [dreg:s9], $0x7FFFF;
	_ =	strace $0x90000046  }
0xba: {  	s29 =	simm.s32 $0x9;
	_ =	strace $0x80000048  }
0xbb: {  	_ =	swait.ge [sflag:s29], $0x1  }
0xbc: {  	[sflag:s29] =	ssyncadd.s32 $0xFFFFFFFF  }
0xbd: {  	_ =	strace $0x90000048  }
0xbe: {  	_ =	sfence  }
0xbf: {  	s30 =	sld [smem:$0x0];
	_ =	sdelay $0x2  }
0xc0: {  	s31 =	sshll.u32 s1, $0xD;
	s1 =	sshrl.u32 s1, $0x2  }
0xc1: {  	s3 =	sand.u32 $0x4000, s31;
	s1 =	sadd.s32 s1, s30  }
0xc2: {  	s0 =	sor.u32 s3, s0;
	s1 =	sshll.u32 s1, $0x11  }
0xc3: {  	s0 =	sor.u32 s1, s0  }
0xc4: {  	s0 =	sadd.s32 $0x8F2B, s0  }
0xc5: {  	[sflag:s0] =	ssyncadd.remote.s32 $0x1  }
0xc6: {  	_ =	sfence.sel $0xFFFF  }
0xc7: {  	[dreg:$0x0] =	wrdreg $0xFFFFFFFF;
	(pc) =	sbr.abs _section_cstart, $3  }
0xc8: {  	[dreg:$0x1] =	wrdreg $0xFFFFFFFF  }
0xc9: {  	_ =	task.clear_ibuf [dreg:s9], $0x2FFFF;
	_ =	strace $0x9FFFFFFF  }
0xca: {  	(tm) =	ssettm $0x7FFFFFFF  }
0xcb: {  	_ =	shalt  }
tec
execute0_lowered:
.L_overlay_start_1:
0x0: {  	(tag) =	ssettag $0x1  }
0x1: {  	s5 =	rddreg [dreg:$0x0]  }
0x2: {  	s1 =	rddreg [dreg:$0x1]  }
0x3: {  	s2 =	srdreg.scid;
	s8 =	rddreg [dreg:$0x2]  }
0x4: {  	s0 =	stileid.u32;
	s9 =	rddreg [dreg:$0x3]  }
0x5: {  	s3 =	simm.s32 $0x0;
	s15 =	simm.s32 $0x100;
	s4 =	smul.u32 $0x3200, s0  }
0x6: {  	v0 =	vlaneseq.u32;
	s16 =	simm.s32 $0x8A00;
	s17 =	simm.s32 $0x180;
	s10 =	smul.u32 $0xC800, s0  }
0x7: {  	s18 =	simm.s32 $0xCE00;
	s19 =	simm.s32 $0x19200;
	v0 =	vmul.u32 $0x88, v0;
	s25 =	smul.u32 $0xD4800, s0  }
0x8: {  	s20 =	simm.s32 $0x1;
	s7 =	sand.u32 $0x1, s2;
	s30 =	smul.u32 $0x32000, s0  }
0x9: {  	s21 =	simm.s32 $0x11200;
	s22 =	simm.s32 $0x15200;
	s6 =	smul.u32 $0x1900, s7;
	v1 =	vadd.s32 $0x880, v0  }
0xa: {  	s23 =	simm.s32 $0x0;
	s2 =	rddreg [dreg:$0x4];
	s11 =	smul.u32 $0x6400, s7;
	v2 =	vadd.s32 $0x1100, v0;
	v3 =	vadd.s32 $0x1980, v0;
	v4 =	vadd.s32 $0x2200, v0  }
0xb: {  	[smem:$0x7FF] =	sst s3;
	s26 =	ssub.s32 $0x2, s7;
	s13 =	smul.u32 $0x6A400, s7;
	v5 =	vadd.s32 $0x2A80, v0;
	v6 =	vadd.s32 $0x3300, v0;
	v7 =	vadd.s32 $0x3B80, v0  }
0xc: {  	_ =	strace $0x80000047;
	s31 =	smul.u32 $0x19000, s7;
	s28 =	sshrl.u32 s26, $0x1;
	v8 =	vadd.s32 $0x4400, v0;
	v9 =	vadd.s32 $0x4C80, v0;
	v10 =	vadd.s32 $0x5500, v0  }
0xd: {  	v11 =	vadd.s32 $0x5D80, v0;
	v12 =	vadd.s32 $0x6600, v0;
	v13 =	vadd.s32 $0x6E80, v0;
	s9 =	sadd.s32 s30, s9;
	s6 =	sadd.s32 s6, s4;
	s24 =	sadd.s32 s11, s10  }
0xe: {  	v14 =	vadd.s32 $0x7700, v0;
	v15 =	vadd.s32 $0x7F80, v0;
	v16 =	vor.u32 $0x8800, v0;
	s4 =	sadd.s32 $0x7A00, s5;
	s6 =	sshrl.u32 s6, $0x3;
	s11 =	sshrl.u32 s24, $0x3  }
0xf: {  	v17 =	vadd.s32 $0x9080, v0;
	v18 =	vadd.s32 $0x9900, v0;
	v19 =	vadd.s32 $0xA180, v0;
	s9 =	sadd.s32 s31, s9;
	s12 =	sadd.s32 s6, s5;
	s14 =	sadd.s32 s11, s5  }
0x10: {  	v20 =	vadd.s32 $0xAA00, v0;
	v21 =	vadd.s32 $0xB280, v0;
	v22 =	vadd.s32 $0xBB00, v0;
	s5 =	sadd.s32 s25, s5;
	s6 =	ssub.s32 s26, s28;
	s8 =	sadd.s32 s11, s8  }
0x11: {  	v23 =	vadd.s32 $0xC380, v0;
	v24 =	vadd.s32 $0xCC00, v0;
	v25 =	vadd.s32 $0xD480, v0;
	s11 =	simm.s32 $0x2;
	s29 =	sadd.s32 s13, s5;
	s5 =	smax.u32 s6, $0x1  }
0x12: {  	v26 =	vadd.s32 $0xDD00, v0;
	v27 =	vadd.s32 $0xE580, v0;
	v28 =	vadd.s32 $0xEE00, v0;
	s7 =	sadd.s32 $0x10200, s14;
	s10 =	sadd.s32 $0x1600, s12;
	s12 =	simm.s32 $0x80  }
0x13: {  	v29 =	vadd.s32 $0xF680, v0;
	v30 =	vadd.s32 $0xFF00, v0;
	v31 =	vadd.s32 $0x10780, v0;
	s13 =	simm.s32 $0x200;
	s14 =	simm.s32 $0x4600;
	s6 =	sadd.s32 $0x29200, s29  }
.LBB2_1:
0x14: {  	s24 =	sadd.s32 $0x0, s8  }
0x15: {  	[tilespmem:s3], [sflag:$0x2] =	stream.linear.gather [hbm4b:s24+s3], $0x200, $0x38;
	[tilespmem:$0x19400] =	vst v63  }
0x16: {  	_ =	swait.ge [sflag:s11], $0x200  }
0x17: {  	[sflag:s11] =	ssyncset.done $0x0  }
0x18: {  	[sflag:s11] =	ssyncadd.s32 $0xFFFFFE00  }
0x19: {  	[tilespmem:s13], [sflag:$0x1] =	stream.indirect.gather [hbm4b:s4+s12], $0x81, s3, s12, $0xb8;
	[tilespmem:$0x19400] =	vst v63  }
0x1a: {  	_ = 	snop  }
0x1b: {  	[tilespmem:s14], [sflag:$0x1] =	stream.indirect.gather [hbm4b:s4+s12], $0x81, s12, s12, $0xb8;
	[tilespmem:$0x19400] =	vst v63  }
0x1c: {  	_ = 	snop  }
0x1d: {  	[tilespmem:s16], [sflag:$0x1] =	stream.indirect.gather [hbm4b:s4+s12], $0x81, s15, s12, $0xb8;
	[tilespmem:$0x19400] =	vst v63  }
0x1e: {  	_ = 	snop  }
0x1f: {  	[tilespmem:s18], [sflag:$0x1] =	stream.indirect.gather [hbm4b:s4+s12], $0x81, s17, s12, $0xb8;
	[tilespmem:$0x19400] =	vst v63  }
0x20: {  	s31 =	sadd.s32 $0x0, s7  }
0x21: {  	[tilespmem:s19], [sflag:$0x2] =	stream.linear.gather [hbm4b:s31+s3], $0x200, $0x38;
	[tilespmem:$0x19400] =	vst v63  }
0x22: {  	_ =	swait.ge [sflag:s11], $0x200  }
0x23: {  	[sflag:s11] =	ssyncset.done $0x0  }
0x24: {  	[sflag:s11] =	ssyncadd.s32 $0xFFFFFE00  }
0x25: {  	_ =	swait.ge [sflag:s20], $0x4080  }
0x26: {  	[sflag:s20] =	ssyncset.done $0x0  }
0x27: {  	[sflag:s20] =	ssyncadd.s32 $0xFFFFBF80  }
0x28: {  	_ =	swait.ge [sflag:s20], $0x4080  }
0x29: {  	[sflag:s20] =	ssyncset.done $0x0  }
0x2a: {  	[sflag:s20] =	ssyncadd.s32 $0xFFFFBF80  }
0x2b: {  	_ =	swait.ge [sflag:s20], $0x4080  }
0x2c: {  	[sflag:s20] =	ssyncset.done $0x0  }
0x2d: {  	[sflag:s20] =	ssyncadd.s32 $0xFFFFBF80  }
0x2e: {  	_ =	swait.ge [sflag:s20], $0x4080  }
0x2f: {  	[sflag:s20] =	ssyncset.done $0x0  }
0x30: {  	[sflag:s20] =	ssyncadd.s32 $0xFFFFBF80  }
0x31: {  	v32 =	vld [tilespmem:$0x19200];
	_ =	sdelay $0x4  }
0x32: {  	[tilespmem:v0+s13+$0x0] =	vst.idx.msk $0xffff, v32  }
0x33: {  	v32 =	vld [tilespmem:$0x19210];
	_ =	sdelay $0x4  }
0x34: {  	[tilespmem:v1+s13+$0x0] =	vst.idx.msk $0xffff, v32  }
0x35: {  	v32 =	vld [tilespmem:$0x19220];
	_ =	sdelay $0x4  }
0x36: {  	[tilespmem:v2+s13+$0x0] =	vst.idx.msk $0xffff, v32  }
0x37: {  	v32 =	vld [tilespmem:$0x19230];
	_ =	sdelay $0x4  }
0x38: {  	[tilespmem:v3+s13+$0x0] =	vst.idx.msk $0xffff, v32  }
0x39: {  	v32 =	vld [tilespmem:$0x19240];
	_ =	sdelay $0x4  }
0x3a: {  	[tilespmem:v4+s13+$0x0] =	vst.idx.msk $0xffff, v32  }
0x3b: {  	v32 =	vld [tilespmem:$0x19250];
	_ =	sdelay $0x4  }
0x3c: {  	[tilespmem:v5+s13+$0x0] =	vst.idx.msk $0xffff, v32  }
0x3d: {  	v32 =	vld [tilespmem:$0x19260];
	_ =	sdelay $0x4  }
0x3e: {  	[tilespmem:v6+s13+$0x0] =	vst.idx.msk $0xffff, v32  }
0x3f: {  	v32 =	vld [tilespmem:$0x19270];
	_ =	sdelay $0x4  }
0x40: {  	[tilespmem:v7+s13+$0x0] =	vst.idx.msk $0xffff, v32  }
0x41: {  	v32 =	vld [tilespmem:$0x19280];
	_ =	sdelay $0x4  }
0x42: {  	[tilespmem:v8+s13+$0x0] =	vst.idx.msk $0xffff, v32  }
0x43: {  	v32 =	vld [tilespmem:$0x19290];
	_ =	sdelay $0x4  }
0x44: {  	[tilespmem:v9+s13+$0x0] =	vst.idx.msk $0xffff, v32  }
0x45: {  	v32 =	vld [tilespmem:$0x192A0];
	_ =	sdelay $0x4  }
0x46: {  	[tilespmem:v10+s13+$0x0] =	vst.idx.msk $0xffff, v32  }
0x47: {  	v32 =	vld [tilespmem:$0x192B0];
	_ =	sdelay $0x4  }
0x48: {  	[tilespmem:v11+s13+$0x0] =	vst.idx.msk $0xffff, v32  }
0x49: {  	v32 =	vld [tilespmem:$0x192C0];
	_ =	sdelay $0x4  }
0x4a: {  	[tilespmem:v12+s13+$0x0] =	vst.idx.msk $0xffff, v32  }
0x4b: {  	v32 =	vld [tilespmem:$0x192D0];
	_ =	sdelay $0x4  }
0x4c: {  	[tilespmem:v13+s13+$0x0] =	vst.idx.msk $0xffff, v32  }
0x4d: {  	v32 =	vld [tilespmem:$0x192E0];
	_ =	sdelay $0x4  }
0x4e: {  	[tilespmem:v14+s13+$0x0] =	vst.idx.msk $0xffff, v32  }
0x4f: {  	v32 =	vld [tilespmem:$0x192F0];
	_ =	sdelay $0x4  }
0x50: {  	[tilespmem:v15+s13+$0x0] =	vst.idx.msk $0xffff, v32  }
0x51: {  	v32 =	vld [tilespmem:$0x19300];
	_ =	sdelay $0x4  }
0x52: {  	[tilespmem:v16+s13+$0x0] =	vst.idx.msk $0xffff, v32  }
0x53: {  	v32 =	vld [tilespmem:$0x19310];
	_ =	sdelay $0x4  }
0x54: {  	[tilespmem:v17+s13+$0x0] =	vst.idx.msk $0xffff, v32  }
0x55: {  	v32 =	vld [tilespmem:$0x19320];
	_ =	sdelay $0x4  }
0x56: {  	[tilespmem:v18+s13+$0x0] =	vst.idx.msk $0xffff, v32  }
0x57: {  	v32 =	vld [tilespmem:$0x19330];
	_ =	sdelay $0x4  }
0x58: {  	[tilespmem:v19+s13+$0x0] =	vst.idx.msk $0xffff, v32  }
0x59: {  	v32 =	vld [tilespmem:$0x19340];
	_ =	sdelay $0x4  }
0x5a: {  	[tilespmem:v20+s13+$0x0] =	vst.idx.msk $0xffff, v32  }
0x5b: {  	v32 =	vld [tilespmem:$0x19350];
	_ =	sdelay $0x4  }
0x5c: {  	[tilespmem:v21+s13+$0x0] =	vst.idx.msk $0xffff, v32  }
0x5d: {  	v32 =	vld [tilespmem:$0x19360];
	_ =	sdelay $0x4  }
0x5e: {  	[tilespmem:v22+s13+$0x0] =	vst.idx.msk $0xffff, v32  }
0x5f: {  	v32 =	vld [tilespmem:$0x19370];
	_ =	sdelay $0x4  }
0x60: {  	[tilespmem:v23+s13+$0x0] =	vst.idx.msk $0xffff, v32  }
0x61: {  	v32 =	vld [tilespmem:$0x19380];
	_ =	sdelay $0x4  }
0x62: {  	[tilespmem:v24+s13+$0x0] =	vst.idx.msk $0xffff, v32  }
0x63: {  	v32 =	vld [tilespmem:$0x19390];
	_ =	sdelay $0x4  }
0x64: {  	[tilespmem:v25+s13+$0x0] =	vst.idx.msk $0xffff, v32  }
0x65: {  	v32 =	vld [tilespmem:$0x193A0];
	_ =	sdelay $0x4  }
0x66: {  	[tilespmem:v26+s13+$0x0] =	vst.idx.msk $0xffff, v32  }
0x67: {  	v32 =	vld [tilespmem:$0x193B0];
	_ =	sdelay $0x4  }
0x68: {  	[tilespmem:v27+s13+$0x0] =	vst.idx.msk $0xffff, v32  }
0x69: {  	v32 =	vld [tilespmem:$0x193C0];
	_ =	sdelay $0x4  }
0x6a: {  	[tilespmem:v28+s13+$0x0] =	vst.idx.msk $0xffff, v32  }
0x6b: {  	v32 =	vld [tilespmem:$0x193D0];
	_ =	sdelay $0x4  }
0x6c: {  	[tilespmem:v29+s13+$0x0] =	vst.idx.msk $0xffff, v32  }
0x6d: {  	v32 =	vld [tilespmem:$0x193E0];
	_ =	sdelay $0x4  }
0x6e: {  	[tilespmem:v30+s13+$0x0] =	vst.idx.msk $0xffff, v32  }
0x6f: {  	v32 =	vld [tilespmem:$0x193F0];
	_ =	sdelay $0x4  }
0x70: {  	[tilespmem:v31+s13+$0x0] =	vst.idx.msk $0xffff, v32  }
0x71: {  	[hbm4b:s6+s3] =	stream.linear.scatter [tilespmem:s13], [sflag:$0x2], $0x11000, $0x38;
	[tilespmem:$0x19400] =	vst v63  }
0x72: {  	s26 =	simm.s32 $0x40;
	s29 =	sadd.s32 $0x40, s8;
	_ =	swait.ge [sflag:s11], $0x11000  }
0x73: {  	s28 =	simm.s32 $0x80;
	s25 =	sadd.s32 $0x2200, s6;
	[sflag:s11] =	ssyncset.done $0x0  }
.LBB2_2:
0x74: {  	s30 =	sadd.s32 s28, s8  }
0x75: {  	s24 =	simm.s32 $0x0;
	[sflag:s11] =	ssyncadd.s32 $0xFFFEF000;
	s31 =	smov.u32 s28  }
0x76: {  	[tilespmem:s24], [sflag:$0x2] =	stream.linear.gather [hbm4b:s29+s24], $0x200, $0x38;
	[tilespmem:$0x19400] =	vst v63  }
0x77: {  	p0 =	sne.s32 s28, $0xC40;
	s28 =	sadd.s32 $0x40, s28;
	_ =	swait.ge [sflag:s11], $0x200  }
0x78: {  	s29 =	smov.u32 s30;
	[sflag:s11] =	ssyncset.done $0x0  }
0x79: {  	[sflag:s11] =	ssyncadd.s32 $0xFFFFFE00  }
0x7a: {  	[tilespmem:s13], [sflag:$0x1] =	stream.indirect.gather [hbm4b:s4+s12], $0x81, s24, s12, $0xb8;
	[tilespmem:$0x19400] =	vst v63  }
0x7b: {  	_ = 	snop  }
0x7c: {  	[tilespmem:s14], [sflag:$0x1] =	stream.indirect.gather [hbm4b:s4+s12], $0x81, s12, s12, $0xb8;
	[tilespmem:$0x19400] =	vst v63  }
0x7d: {  	_ = 	snop  }
0x7e: {  	[tilespmem:s16], [sflag:$0x1] =	stream.indirect.gather [hbm4b:s4+s12], $0x81, s15, s12, $0xb8;
	[tilespmem:$0x19400] =	vst v63  }
0x7f: {  	_ = 	snop  }
0x80: {  	[tilespmem:s18], [sflag:$0x1] =	stream.indirect.gather [hbm4b:s4+s12], $0x81, s17, s12, $0xb8;
	[tilespmem:$0x19400] =	vst v63  }
0x81: {  	s30 =	sadd.s32 s26, s7;
	s26 =	smov.u32 s31  }
0x82: {  	[tilespmem:s19], [sflag:$0x2] =	stream.linear.gather [hbm4b:s30+s24], $0x200, $0x38;
	[tilespmem:$0x19400] =	vst v63  }
0x83: {  	_ =	swait.ge [sflag:s11], $0x200  }
0x84: {  	[sflag:s11] =	ssyncset.done $0x0  }
0x85: {  	[sflag:s11] =	ssyncadd.s32 $0xFFFFFE00  }
0x86: {  	_ =	swait.ge [sflag:s20], $0x4080  }
0x87: {  	[sflag:s20] =	ssyncset.done $0x0  }
0x88: {  	[sflag:s20] =	ssyncadd.s32 $0xFFFFBF80  }
0x89: {  	_ =	swait.ge [sflag:s20], $0x4080  }
0x8a: {  	[sflag:s20] =	ssyncset.done $0x0  }
0x8b: {  	[sflag:s20] =	ssyncadd.s32 $0xFFFFBF80  }
0x8c: {  	_ =	swait.ge [sflag:s20], $0x4080  }
0x8d: {  	[sflag:s20] =	ssyncset.done $0x0  }
0x8e: {  	[sflag:s20] =	ssyncadd.s32 $0xFFFFBF80  }
0x8f: {  	_ =	swait.ge [sflag:s20], $0x4080  }
0x90: {  	[sflag:s20] =	ssyncset.done $0x0  }
0x91: {  	[sflag:s20] =	ssyncadd.s32 $0xFFFFBF80  }
0x92: {  	v32 =	vld [tilespmem:$0x19200];
	_ =	sdelay $0x4  }
0x93: {  	[tilespmem:v0+s13+$0x0] =	vst.idx.msk $0xffff, v32  }
0x94: {  	v32 =	vld [tilespmem:$0x19210];
	_ =	sdelay $0x4  }
0x95: {  	[tilespmem:v1+s13+$0x0] =	vst.idx.msk $0xffff, v32  }
0x96: {  	v32 =	vld [tilespmem:$0x19220];
	_ =	sdelay $0x4  }
0x97: {  	[tilespmem:v2+s13+$0x0] =	vst.idx.msk $0xffff, v32  }
0x98: {  	v32 =	vld [tilespmem:$0x19230];
	_ =	sdelay $0x4  }
0x99: {  	[tilespmem:v3+s13+$0x0] =	vst.idx.msk $0xffff, v32  }
0x9a: {  	v32 =	vld [tilespmem:$0x19240];
	_ =	sdelay $0x4  }
0x9b: {  	[tilespmem:v4+s13+$0x0] =	vst.idx.msk $0xffff, v32  }
0x9c: {  	v32 =	vld [tilespmem:$0x19250];
	_ =	sdelay $0x4  }
0x9d: {  	[tilespmem:v5+s13+$0x0] =	vst.idx.msk $0xffff, v32  }
0x9e: {  	v32 =	vld [tilespmem:$0x19260];
	_ =	sdelay $0x4  }
0x9f: {  	[tilespmem:v6+s13+$0x0] =	vst.idx.msk $0xffff, v32  }
0xa0: {  	v32 =	vld [tilespmem:$0x19270];
	_ =	sdelay $0x4  }
0xa1: {  	[tilespmem:v7+s13+$0x0] =	vst.idx.msk $0xffff, v32  }
0xa2: {  	v32 =	vld [tilespmem:$0x19280];
	_ =	sdelay $0x4  }
0xa3: {  	[tilespmem:v8+s13+$0x0] =	vst.idx.msk $0xffff, v32  }
0xa4: {  	v32 =	vld [tilespmem:$0x19290];
	_ =	sdelay $0x4  }
0xa5: {  	[tilespmem:v9+s13+$0x0] =	vst.idx.msk $0xffff, v32  }
0xa6: {  	v32 =	vld [tilespmem:$0x192A0];
	_ =	sdelay $0x4  }
0xa7: {  	[tilespmem:v10+s13+$0x0] =	vst.idx.msk $0xffff, v32  }
0xa8: {  	v32 =	vld [tilespmem:$0x192B0];
	_ =	sdelay $0x4  }
0xa9: {  	[tilespmem:v11+s13+$0x0] =	vst.idx.msk $0xffff, v32  }
0xaa: {  	v32 =	vld [tilespmem:$0x192C0];
	_ =	sdelay $0x4  }
0xab: {  	[tilespmem:v12+s13+$0x0] =	vst.idx.msk $0xffff, v32  }
0xac: {  	v32 =	vld [tilespmem:$0x192D0];
	_ =	sdelay $0x4  }
0xad: {  	[tilespmem:v13+s13+$0x0] =	vst.idx.msk $0xffff, v32  }
0xae: {  	v32 =	vld [tilespmem:$0x192E0];
	_ =	sdelay $0x4  }
0xaf: {  	[tilespmem:v14+s13+$0x0] =	vst.idx.msk $0xffff, v32  }
0xb0: {  	v32 =	vld [tilespmem:$0x192F0];
	_ =	sdelay $0x4  }
0xb1: {  	[tilespmem:v15+s13+$0x0] =	vst.idx.msk $0xffff, v32  }
0xb2: {  	v32 =	vld [tilespmem:$0x19300];
	_ =	sdelay $0x4  }
0xb3: {  	[tilespmem:v16+s13+$0x0] =	vst.idx.msk $0xffff, v32  }
0xb4: {  	v32 =	vld [tilespmem:$0x19310];
	_ =	sdelay $0x4  }
0xb5: {  	[tilespmem:v17+s13+$0x0] =	vst.idx.msk $0xffff, v32  }
0xb6: {  	v32 =	vld [tilespmem:$0x19320];
	_ =	sdelay $0x4  }
0xb7: {  	[tilespmem:v18+s13+$0x0] =	vst.idx.msk $0xffff, v32  }
0xb8: {  	v32 =	vld [tilespmem:$0x19330];
	_ =	sdelay $0x4  }
0xb9: {  	[tilespmem:v19+s13+$0x0] =	vst.idx.msk $0xffff, v32  }
0xba: {  	v32 =	vld [tilespmem:$0x19340];
	_ =	sdelay $0x4  }
0xbb: {  	[tilespmem:v20+s13+$0x0] =	vst.idx.msk $0xffff, v32  }
0xbc: {  	v32 =	vld [tilespmem:$0x19350];
	_ =	sdelay $0x4  }
0xbd: {  	[tilespmem:v21+s13+$0x0] =	vst.idx.msk $0xffff, v32  }
0xbe: {  	v32 =	vld [tilespmem:$0x19360];
	_ =	sdelay $0x4  }
0xbf: {  	[tilespmem:v22+s13+$0x0] =	vst.idx.msk $0xffff, v32  }
0xc0: {  	v32 =	vld [tilespmem:$0x19370];
	_ =	sdelay $0x4  }
0xc1: {  	[tilespmem:v23+s13+$0x0] =	vst.idx.msk $0xffff, v32  }
0xc2: {  	v32 =	vld [tilespmem:$0x19380];
	_ =	sdelay $0x4  }
0xc3: {  	[tilespmem:v24+s13+$0x0] =	vst.idx.msk $0xffff, v32  }
0xc4: {  	v32 =	vld [tilespmem:$0x19390];
	_ =	sdelay $0x4  }
0xc5: {  	[tilespmem:v25+s13+$0x0] =	vst.idx.msk $0xffff, v32  }
0xc6: {  	v32 =	vld [tilespmem:$0x193A0];
	_ =	sdelay $0x4  }
0xc7: {  	[tilespmem:v26+s13+$0x0] =	vst.idx.msk $0xffff, v32  }
0xc8: {  	v32 =	vld [tilespmem:$0x193B0];
	_ =	sdelay $0x4  }
0xc9: {  	[tilespmem:v27+s13+$0x0] =	vst.idx.msk $0xffff, v32  }
0xca: {  	v32 =	vld [tilespmem:$0x193C0];
	_ =	sdelay $0x4  }
0xcb: {  	[tilespmem:v28+s13+$0x0] =	vst.idx.msk $0xffff, v32  }
0xcc: {  	v32 =	vld [tilespmem:$0x193D0];
	_ =	sdelay $0x4  }
0xcd: {  	[tilespmem:v29+s13+$0x0] =	vst.idx.msk $0xffff, v32  }
0xce: {  	v32 =	vld [tilespmem:$0x193E0];
	_ =	sdelay $0x4  }
0xcf: {  	[tilespmem:v30+s13+$0x0] =	vst.idx.msk $0xffff, v32  }
0xd0: {  	v32 =	vld [tilespmem:$0x193F0];
	_ =	sdelay $0x3  }
.Ltmp0:
0xd1: {  	(pc) =	sbr.rel @p0 .LBB2_2-.Ltmp0, $4  }
0xd2: {  	[tilespmem:v31+s13+$0x0] =	vst.idx.msk $0xffff, v32  }
0xd3: {  	[hbm4b:s25+s24] =	stream.linear.scatter [tilespmem:s13], [sflag:$0x2], $0x11000, $0x38;
	[tilespmem:$0x19400] =	vst v63  }
0xd4: {  	_ =	swait.ge [sflag:s11], $0x11000  }
0xd5: {  	s25 =	sadd.s32 $0x2200, s25;
	[sflag:s11] =	ssyncset.done $0x0  }
0xd6: {  	[sflag:s11] =	ssyncadd.s32 $0xFFFEF000  }
0xd7: {  	[tilespmem:s24], [sflag:$0x2] =	stream.linear.gather [hbm4b:s29+s24], $0x200, $0x38;
	[tilespmem:$0x19400] =	vst v63  }
0xd8: {  	_ =	swait.ge [sflag:s11], $0x200  }
0xd9: {  	[sflag:s11] =	ssyncset.done $0x0  }
0xda: {  	[sflag:s11] =	ssyncadd.s32 $0xFFFFFE00  }
0xdb: {  	[tilespmem:s13], [sflag:$0x1] =	stream.indirect.gather [hbm4b:s4+s12], $0x81, s24, s12, $0xb8;
	[tilespmem:$0x19400] =	vst v63  }
0xdc: {  	_ = 	snop  }
0xdd: {  	[tilespmem:s14], [sflag:$0x1] =	stream.indirect.gather [hbm4b:s4+s12], $0x81, s12, s12, $0xb8;
	[tilespmem:$0x19400] =	vst v63  }
0xde: {  	_ = 	snop  }
0xdf: {  	[tilespmem:s16], [sflag:$0x1] =	stream.indirect.gather [hbm4b:s4+s12], $0x81, s15, s12, $0xb8;
	[tilespmem:$0x19400] =	vst v63  }
0xe0: {  	_ = 	snop  }
0xe1: {  	[tilespmem:s18], [sflag:$0x1] =	stream.indirect.gather [hbm4b:s4+s12], $0x81, s17, s12, $0xb8;
	[tilespmem:$0x19400] =	vst v63  }
0xe2: {  	s26 =	sadd.s32 s26, s7  }
0xe3: {  	[tilespmem:s19], [sflag:$0x2] =	stream.linear.gather [hbm4b:s26+s24], $0x200, $0x38;
	[tilespmem:$0x19400] =	vst v63  }
0xe4: {  	_ =	swait.ge [sflag:s11], $0x200  }
0xe5: {  	[sflag:s11] =	ssyncset.done $0x0  }
0xe6: {  	[sflag:s11] =	ssyncadd.s32 $0xFFFFFE00  }
0xe7: {  	_ =	swait.ge [sflag:s20], $0x4080  }
0xe8: {  	[sflag:s20] =	ssyncset.done $0x0  }
0xe9: {  	[sflag:s20] =	ssyncadd.s32 $0xFFFFBF80  }
0xea: {  	_ =	swait.ge [sflag:s20], $0x4080  }
0xeb: {  	[sflag:s20] =	ssyncset.done $0x0  }
0xec: {  	[sflag:s20] =	ssyncadd.s32 $0xFFFFBF80  }
0xed: {  	_ =	swait.ge [sflag:s20], $0x4080  }
0xee: {  	[sflag:s20] =	ssyncset.done $0x0  }
0xef: {  	[sflag:s20] =	ssyncadd.s32 $0xFFFFBF80  }
0xf0: {  	_ =	swait.ge [sflag:s20], $0x4080  }
0xf1: {  	[sflag:s20] =	ssyncset.done $0x0  }
0xf2: {  	[sflag:s20] =	ssyncadd.s32 $0xFFFFBF80  }
0xf3: {  	v32 =	vld [tilespmem:$0x19200];
	_ =	sdelay $0x4  }
0xf4: {  	[tilespmem:v0+s13+$0x0] =	vst.idx.msk $0xffff, v32  }
0xf5: {  	v32 =	vld [tilespmem:$0x19210];
	_ =	sdelay $0x4  }
0xf6: {  	[tilespmem:v1+s13+$0x0] =	vst.idx.msk $0xffff, v32  }
0xf7: {  	v32 =	vld [tilespmem:$0x19220];
	_ =	sdelay $0x4  }
0xf8: {  	[tilespmem:v2+s13+$0x0] =	vst.idx.msk $0xffff, v32  }
0xf9: {  	v32 =	vld [tilespmem:$0x19230];
	_ =	sdelay $0x4  }
0xfa: {  	[tilespmem:v3+s13+$0x0] =	vst.idx.msk $0xffff, v32  }
0xfb: {  	v32 =	vld [tilespmem:$0x19240];
	_ =	sdelay $0x4  }
0xfc: {  	[tilespmem:v4+s13+$0x0] =	vst.idx.msk $0xffff, v32  }
0xfd: {  	v32 =	vld [tilespmem:$0x19250];
	_ =	sdelay $0x4  }
0xfe: {  	[tilespmem:v5+s13+$0x0] =	vst.idx.msk $0xffff, v32  }
0xff: {  	v32 =	vld [tilespmem:$0x19260];
	_ =	sdelay $0x4  }
0x100: {  	[tilespmem:v6+s13+$0x0] =	vst.idx.msk $0xffff, v32  }
0x101: {  	v32 =	vld [tilespmem:$0x19270];
	_ =	sdelay $0x4  }
0x102: {  	[tilespmem:v7+s13+$0x0] =	vst.idx.msk $0xffff, v32  }
0x103: {  	v32 =	vld [tilespmem:$0x19280];
	_ =	sdelay $0x4  }
0x104: {  	[tilespmem:v8+s13+$0x0] =	vst.idx.msk $0xffff, v32  }
0x105: {  	v32 =	vld [tilespmem:$0x19290];
	_ =	sdelay $0x4  }
0x106: {  	[tilespmem:v9+s13+$0x0] =	vst.idx.msk $0xffff, v32  }
0x107: {  	v32 =	vld [tilespmem:$0x192A0];
	_ =	sdelay $0x4  }
0x108: {  	[tilespmem:v10+s13+$0x0] =	vst.idx.msk $0xffff, v32  }
0x109: {  	v32 =	vld [tilespmem:$0x192B0];
	_ =	sdelay $0x4  }
0x10a: {  	[tilespmem:v11+s13+$0x0] =	vst.idx.msk $0xffff, v32  }
0x10b: {  	v32 =	vld [tilespmem:$0x192C0];
	_ =	sdelay $0x4  }
0x10c: {  	[tilespmem:v12+s13+$0x0] =	vst.idx.msk $0xffff, v32  }
0x10d: {  	v32 =	vld [tilespmem:$0x192D0];
	_ =	sdelay $0x4  }
0x10e: {  	[tilespmem:v13+s13+$0x0] =	vst.idx.msk $0xffff, v32  }
0x10f: {  	v32 =	vld [tilespmem:$0x192E0];
	_ =	sdelay $0x4  }
0x110: {  	[tilespmem:v14+s13+$0x0] =	vst.idx.msk $0xffff, v32  }
0x111: {  	v32 =	vld [tilespmem:$0x192F0];
	_ =	sdelay $0x4  }
0x112: {  	[tilespmem:v15+s13+$0x0] =	vst.idx.msk $0xffff, v32  }
0x113: {  	v32 =	vld [tilespmem:$0x19300];
	_ =	sdelay $0x4  }
0x114: {  	[tilespmem:v16+s13+$0x0] =	vst.idx.msk $0xffff, v32  }
0x115: {  	v32 =	vld [tilespmem:$0x19310];
	_ =	sdelay $0x4  }
0x116: {  	[tilespmem:v17+s13+$0x0] =	vst.idx.msk $0xffff, v32  }
0x117: {  	v32 =	vld [tilespmem:$0x19320];
	_ =	sdelay $0x4  }
0x118: {  	[tilespmem:v18+s13+$0x0] =	vst.idx.msk $0xffff, v32  }
0x119: {  	v32 =	vld [tilespmem:$0x19330];
	_ =	sdelay $0x4  }
0x11a: {  	[tilespmem:v19+s13+$0x0] =	vst.idx.msk $0xffff, v32  }
0x11b: {  	v32 =	vld [tilespmem:$0x19340];
	_ =	sdelay $0x4  }
0x11c: {  	[tilespmem:v20+s13+$0x0] =	vst.idx.msk $0xffff, v32  }
0x11d: {  	v32 =	vld [tilespmem:$0x19350];
	_ =	sdelay $0x4  }
0x11e: {  	[tilespmem:v21+s13+$0x0] =	vst.idx.msk $0xffff, v32  }
0x11f: {  	v32 =	vld [tilespmem:$0x19360];
	_ =	sdelay $0x4  }
0x120: {  	[tilespmem:v22+s13+$0x0] =	vst.idx.msk $0xffff, v32  }
0x121: {  	v32 =	vld [tilespmem:$0x19370];
	_ =	sdelay $0x4  }
0x122: {  	[tilespmem:v23+s13+$0x0] =	vst.idx.msk $0xffff, v32  }
0x123: {  	v32 =	vld [tilespmem:$0x19380];
	_ =	sdelay $0x4  }
0x124: {  	[tilespmem:v24+s13+$0x0] =	vst.idx.msk $0xffff, v32  }
0x125: {  	v32 =	vld [tilespmem:$0x19390];
	_ =	sdelay $0x4  }
0x126: {  	[tilespmem:v25+s13+$0x0] =	vst.idx.msk $0xffff, v32  }
0x127: {  	v32 =	vld [tilespmem:$0x193A0];
	_ =	sdelay $0x4  }
0x128: {  	[tilespmem:v26+s13+$0x0] =	vst.idx.msk $0xffff, v32  }
0x129: {  	v32 =	vld [tilespmem:$0x193B0];
	_ =	sdelay $0x4  }
0x12a: {  	[tilespmem:v27+s13+$0x0] =	vst.idx.msk $0xffff, v32  }
0x12b: {  	v32 =	vld [tilespmem:$0x193C0];
	_ =	sdelay $0x4  }
0x12c: {  	[tilespmem:v28+s13+$0x0] =	vst.idx.msk $0xffff, v32  }
0x12d: {  	v32 =	vld [tilespmem:$0x193D0];
	_ =	sdelay $0x4  }
0x12e: {  	[tilespmem:v29+s13+$0x0] =	vst.idx.msk $0xffff, v32  }
0x12f: {  	v32 =	vld [tilespmem:$0x193E0];
	_ =	sdelay $0x4  }
0x130: {  	[tilespmem:v30+s13+$0x0] =	vst.idx.msk $0xffff, v32  }
0x131: {  	v32 =	vld [tilespmem:$0x193F0];
	_ =	sdelay $0x3  }
0x132: {  	p1 =	por $0x1, $0x1  }
.Ltmp1:
0x133: {  	[tilespmem:v31+s13+$0x0] =	vst.idx.msk $0xffff, v32;
	(pc) =	sbr.rel @!p1 .LBB2_8-.Ltmp1, $4  }
0x134: {  	[hbm4b:s25+s24] =	stream.linear.scatter [tilespmem:s13], [sflag:$0x2], $0x11000, $0x38;
	[tilespmem:$0x19400] =	vst v63  }
0x135: {  	_ =	swait.ge [sflag:s11], $0x11000  }
0x136: {  	p0 =	por $0x0, $0x0;
	[sflag:s11] =	ssyncset.done $0x0  }
0x137: {  	s26 =	smov.u32 s9;
	s25 =	simm.s32 $0x20;
	[sflag:s11] =	ssyncadd.s32 $0xFFFEF000  }
0x138: {  	s24 =	sadd.s32 $0x0, s10  }
0x139: {  	[tilespmem:s3], [sflag:$0x2] =	stream.linear.gather [hbm4b:s24+s3], $0x100, $0x38;
	[tilespmem:$0x19400] =	vst v63  }
0x13a: {  	_ =	swait.ge [sflag:s11], $0x100  }
0x13b: {  	[sflag:s11] =	ssyncset.done $0x0  }
0x13c: {  	[sflag:s11] =	ssyncadd.s32 $0xFFFFFF00  }
0x13d: {  	[tilespmem:s21], [sflag:$0x1] =	stream.indirect.gather [hbm4b:s1+s12], $0x80, s3, s12, $0xb8;
	[tilespmem:$0x19400] =	vst v63  }
0x13e: {  	_ = 	snop  }
0x13f: {  	[tilespmem:s22], [sflag:$0x1] =	stream.indirect.gather [hbm4b:s1+s12], $0x80, s12, s12, $0xb8;
	[tilespmem:$0x19400] =	vst v63  }
0x140: {  	_ =	swait.ge [sflag:s20], $0x4000  }
0x141: {  	[sflag:s20] =	ssyncset.done $0x0  }
0x142: {  	[sflag:s20] =	ssyncadd.s32 $0xFFFFC000  }
0x143: {  	p1 =	por $0x1, $0x1;
	_ =	swait.ge [sflag:s20], $0x4000  }
.Ltmp2:
0x144: {  	[sflag:s20] =	ssyncset.done $0x0;
	(pc) =	sbr.rel @!p1 .LBB2_5-.Ltmp2, $4  }
0x145: {  	[sflag:s20] =	ssyncadd.s32 $0xFFFFC000  }
0x146: {  	[hbm4b:s9+s3] =	stream.linear.scatter [tilespmem:s21], [sflag:$0x2], $0x8000, $0x38;
	[tilespmem:$0x19400] =	vst v63  }
0x147: {  	s26 =	sadd.s32 $0x1000, s9;
	_ =	swait.ge [sflag:s11], $0x8000  }
0x148: {  	p0 =	por $0x1, $0x1;
	s24 =	simm.s32 $0x40;
	[sflag:s11] =	ssyncset.done $0x0  }
.LBB2_6:
0x149: {  	s28 =	sadd.s32 s25, s10  }
0x14a: {  	[sflag:s11] =	ssyncadd.s32 $0xFFFF8000;
	s25 =	smov.u32 s24;
	s29 =	sadd.s32 $0x20, s24  }
0x14b: {  	[tilespmem:s3], [sflag:$0x2] =	stream.linear.gather [hbm4b:s28+s3], $0x100, $0x38;
	[tilespmem:$0x19400] =	vst v63  }
0x14c: {  	p1 =	sne.s32 s24, $0x300;
	_ =	swait.ge [sflag:s11], $0x100  }
0x14d: {  	[sflag:s11] =	ssyncset.done $0x0  }
0x14e: {  	[sflag:s11] =	ssyncadd.s32 $0xFFFFFF00  }
0x14f: {  	[tilespmem:s21], [sflag:$0x1] =	stream.indirect.gather [hbm4b:s1+s12], $0x80, s3, s12, $0xb8;
	[tilespmem:$0x19400] =	vst v63  }
0x150: {  	_ = 	snop  }
0x151: {  	[tilespmem:s22], [sflag:$0x1] =	stream.indirect.gather [hbm4b:s1+s12], $0x80, s12, s12, $0xb8;
	[tilespmem:$0x19400] =	vst v63  }
0x152: {  	_ =	swait.ge [sflag:s20], $0x4000  }
0x153: {  	[sflag:s20] =	ssyncset.done $0x0  }
0x154: {  	[sflag:s20] =	ssyncadd.s32 $0xFFFFC000  }
0x155: {  	_ =	swait.ge [sflag:s20], $0x4000  }
.Ltmp3:
0x156: {  	[sflag:s20] =	ssyncset.done $0x0;
	(pc) =	sbr.rel @p1 .LBB2_6-.Ltmp3, $4  }
0x157: {  	[sflag:s20] =	ssyncadd.s32 $0xFFFFC000  }
0x158: {  	[hbm4b:s26+s3] =	stream.linear.scatter [tilespmem:s21], [sflag:$0x2], $0x8000, $0x38;
	[tilespmem:$0x19400] =	vst v63  }
0x159: {  	_ =	swait.ge [sflag:s11], $0x8000  }
0x15a: {  	s24 =	smov.u32 s29;
	s26 =	sadd.s32 $0x1000, s26;
	[sflag:s11] =	ssyncset.done $0x0  }
0x15b: {  	s24 =	smov.u32 s25  }
.LBB2_8:
0x15c: {  	s24 =	sadd.s32 s24, s10;
	[sflag:s11] =	ssyncadd.s32 @p0 $0xFFFF8000  }
0x15d: {  	[tilespmem:s3], [sflag:$0x2] =	stream.linear.gather [hbm4b:s24+s3], $0x100, $0x38;
	[tilespmem:$0x19400] =	vst v63  }
0x15e: {  	_ =	swait.ge [sflag:s11], $0x100  }
0x15f: {  	[sflag:s11] =	ssyncset.done $0x0  }
0x160: {  	[sflag:s11] =	ssyncadd.s32 $0xFFFFFF00  }
0x161: {  	[tilespmem:s21], [sflag:$0x1] =	stream.indirect.gather [hbm4b:s1+s12], $0x80, s3, s12, $0xb8;
	[tilespmem:$0x19400] =	vst v63  }
0x162: {  	_ = 	snop  }
0x163: {  	[tilespmem:s22], [sflag:$0x1] =	stream.indirect.gather [hbm4b:s1+s12], $0x80, s12, s12, $0xb8;
	[tilespmem:$0x19400] =	vst v63  }
0x164: {  	_ =	swait.ge [sflag:s20], $0x4000  }
0x165: {  	[sflag:s20] =	ssyncset.done $0x0  }
0x166: {  	[sflag:s20] =	ssyncadd.s32 $0xFFFFC000  }
0x167: {  	_ =	swait.ge [sflag:s20], $0x4000  }
0x168: {  	s23 =	sadd.s32 $0x1, s23;
	[sflag:s20] =	ssyncset.done $0x0  }
0x169: {  	p0 =	sne.s32 s23, s5;
	[sflag:s20] =	ssyncadd.s32 $0xFFFFC000  }
0x16a: {  	[hbm4b:s26+s3] =	stream.linear.scatter [tilespmem:s21], [sflag:$0x2], $0x8000, $0x38;
	[tilespmem:$0x19400] =	vst v63  }
.Ltmp4:
0x16b: {  	_ = 	snop;
	(pc) =	sbr.rel @p0 .LBB2_1-.Ltmp4, $4  }
.Ltmp5:
0x16c: {  	_ = 	snop;
	(pc) =	sbr.rel @!p0 .LBB2_9-.Ltmp5, $4  }
0x16d: {  	_ =	swait.ge [sflag:s11], $0x8000  }
0x16e: {  	[sflag:s11] =	ssyncset.done $0x0  }
0x16f: {  	[sflag:s11] =	ssyncadd.s32 $0xFFFF8000  }
0x170: {  	_ = 	snop  }
.LBB2_5:
.Ltmp6:
0x171: {  	(pc) =	sbr.rel .LBB2_8-.Ltmp6, $2  }
0x172: {  	_ =	sdelay $0x2  }
0x173: {  	s24 =	simm.s32 $0x20  }
.LBB2_9:
0x174: {  	_ =	sfence.sel $0x180000  }
0x175: {  	[bflag:$0x0] =	sbarrier.arrive $0xFFFF  }
0x176: {  	p0 =	sne.s32 s0, $0x0;
	_ =	strace $0x90000047  }
0x177: {  	s0 =	sadd.s32 @!p0 $0x100000, s2;
	[bflag:$0x2] =	sbarrier.arrive $0xFFFF  }
0x178: {  	[sflag:s0] =	ssyncadd.tile.s32 @!p0 $0x1;
	_ =	shalt  }
.Lfunc_end2:
_tile_overlayer_lowered:
.L_overlay_start_2:
0x179: {  	(tag) =	ssettag $0x2  }
0x17a: {  	s0 =	rddreg [dreg:$0x0];
	s2 =	stileid.u32  }
0x17b: {  	s1 =	rddreg [dreg:$0x1];
	p0 =	sne.s32 s2, $0x0  }
0x17c: {  	s3 =	rddreg [dreg:$0x2];
	[bflag:$0x3] =	sbarrier.arrive $0xFFFF;
	s2 =	simm.s32 @!p0 $0x1C02  }
0x17d: {  	[timem:s3], [sflag:s2] =	dma.local @!p0 [hbm:s0], s1  }
0x17e: {  	s0 =	simm.s32 @!p0 $0x2  }
0x17f: {  	_ =	swait.ge @!p0 [sflag:s0], s1  }
0x180: {  	s1 =	ssub.s32 @!p0 $0x0, s1;
	[sflag:s0] =	ssyncset.done @!p0 $0x0  }
0x181: {  	[sflag:s0] =	ssyncadd.s32 @!p0 s1  }
0x182: {  	[bflag:$0x3] =	sbarrier.arrive $0xFFFF  }
0x183: {  	_ =	shalt  }

// kernel: sparse-core-data-format-call.1.cloned.1.call-start
scs
called_computation.1_lowered:
.L_overlay_start_0:
0x0: {  	s2 =	sld [smem:$0x3FD9]  }
0x1: {  	s3 =	sld [smem:$0x3FFE];
	_ =	sdelay $0x1  }
0x2: {  	s1 =	srdreg.scid  }
0x3: {  	s0 =	sand.u32 $0x1, s1  }
0x4: {  	s16 =	sshll.u32 s0, $0xA;
	s2 =	sadd.s32 s3, s2  }
0x5: {  	s2 =	sadd.s32 s2, s16  }
0x6: {  	[smem:$0x3FC4] =	sst s2  }
0x7: {  	_ = 	snop  }
0x8: {  	s2 =	sld [smem:$0x3FD0];
	_ =	sdelay $0x2  }
0x9: {  	s17 =	simm.s32 $0xB;
	s4 =	simm.s32 $0x10  }
0xa: {  	[smem:s4], [sflag:s17] =	dma.local [hbm:s2], $0x1  }
0xb: {  	_ =	swait.eq [sflag:s17], $0x1  }
0xc: {  	[sflag:s17] =	ssyncset.done $0x0  }
0xd: {  	[sflag:s17] =	ssyncadd.s32 $0xFFFFFFFF  }
0xe: {  	s18 =	sld [smem:$0x10];
	(tm) =	ssettm $0x1  }
0xf: {  	s19 =	sld [smem:$0x3FFB];
	_ =	sdelay $0x3  }
0x10: {  	_ =	strace s19  }
0x11: {  	s2 =	sld [smem:$0x3FFC];
	_ =	sdelay $0x3  }
0x12: {  	_ =	strace s2  }
0x13: {  	s2 =	sld [smem:$0x3FFD];
	_ =	sdelay $0x3  }
0x14: {  	_ =	strace s2  }
0x15: {  	_ =	strace $0x8FFFFFFF  }
0x16: {  	s20 =	sld [smem:$0x3FDB];
	_ =	sdelay $0x1  }
0x17: {  	s21 =	simm.s32 $_scs_section_size  }
0x18: {  	s5 =	simm.s32 $_size__tile_overlayer_lowered;
	s6 =	simm.s32 $_tile_overlayer_lowered  }
0x19: {  	s7 =	simm.s32 $0x1BFF;
	s22 =	sshll.u32 s6, $0x1;
	s4 =	sadd.s32 s21, s20  }
0x1a: {  	s23 =	simm.s32 $0x0;
	s5 =	sshll.u32 s5, $0x1;
	s6 =	sadd.s32 s22, s4  }
0x1b: {  	[timem:s23], [sflag:s7] =	dma.local [hbm:s6], s5  }
0x1c: {  	_ =	swait.ge [sflag:s7], s5  }
0x1d: {  	s5 =	ssub.s32 $0x0, s5;
	[sflag:s7] =	ssyncset.done $0x0  }
0x1e: {  	[sflag:s7] =	ssyncadd.s32 s5;
	_ =	sdelay $0x1  }
0x1f: {  	s24 =	simm.s32 $0x1B8B  }
0x20: {  	_ =	swait.ge [sflag:s24], $0x1  }
0x21: {  	[sflag:s24] =	ssyncset.done $0x0  }
0x22: {  	[sflag:s24] =	ssyncadd.s32 $0xFFFFFFFF  }
0x23: {  	s5 =	sld [smem:$0x0]  }
0x24: {  	s6 =	sand.u32 $0xFFFFFFFE, s1  }
0x25: {  	p0 =	sne.s32 s1, s6  }
0x26: {  	s6 =	sshll.u32 @p0 s6, $0xE  }
0x27: {  	s6 =	sadd.s32 @p0 $0x11B8D, s6;
	s7 =	sshll.u32 @p0 s5, $0x11  }
0x28: {  	s6 =	sor.u32 @p0 s7, s6  }
0x29: {  	[sflag:s6] =	ssyncadd.remote.s32 @p0 $0x1;
	_ =	sdelay $0x1  }
0x2a: {  	s6 =	simm.s32 @p0 $0x1B8D  }
0x2b: {  	_ =	swait.eq @p0 [sflag:s6], $0x1  }
0x2c: {  	[sflag:s6] =	ssyncadd.s32 @p0 $0xFFFFFFFF  }
0x2d: {  	s7 =	sshll.u32 @!p0 s1, $0xE  }
0x2e: {  	s7 =	sor.u32 @!p0 $0x4000, s7;
	s6 =	simm.s32 @!p0 $0x1B8D  }
0x2f: {  	s5 =	sshll.u32 @!p0 s5, $0x11;
	s7 =	sadd.s32 @!p0 $0x11B8D, s7;
	_ =	swait.eq @!p0 [sflag:s6], $0x1  }
0x30: {  	s5 =	sor.u32 @!p0 s5, s7;
	[sflag:s6] =	ssyncadd.s32 @!p0 $0xFFFFFFFF  }
0x31: {  	s26 =	simm.s32 $0x1B8E;
	s25 =	sld [smem:$0x3FFE];
	[sflag:s5] =	ssyncadd.remote.s32 @!p0 $0x1  }
0x32: {  	s27 =	simm.s32 $execute0_lowered;
	[smem:$0x3FD2] =	sst s26  }
0x33: {  	s6 =	sshll.u32 s27, $0x1;
	_ =	strace $0x8000004C;
	[dreg:$0x1] =	wrdreg $0xFFFFFFFF  }
0x34: {  	s28 =	simm.s32 $_size_execute0_lowered;
	s4 =	sadd.s32 s4, s6;
	[dreg:$0x0] =	wrdreg $0x0  }
0x35: {  	s6 =	sshll.u32 s28, $0x1;
	[dreg:$0x2] =	wrdreg s4  }
0x36: {  	[dreg:$0x3] =	wrdreg s6  }
0x37: {  	[dreg:$0x4] =	wrdreg $0xC0  }
0x38: {  	_ =	task [dreg:s23], $0x5FFFF  }
0x39: {  	[dreg:$0x1] =	wrdreg $0xFFFFFFFF  }
0x3a: {  	[dreg:$0x0] =	wrdreg $0x60  }
0x3b: {  	[dreg:$0x2] =	wrdreg s25  }
0x3c: {  	[dreg:$0x3] =	wrdreg s18  }
0x3d: {  	[dreg:$0x4] =	wrdreg $0xA  }
0x3e: {  	_ =	task.clear_ibuf [dreg:s23], $0x5FFFF;
	_ =	strace $0x9000004C  }
0x3f: {  	s29 =	simm.s32 $0xA;
	_ =	strace $0x8000004E  }
0x40: {  	_ =	swait.ge [sflag:s29], $0x1  }
0x41: {  	[sflag:s29] =	ssyncadd.s32 $0xFFFFFFFF  }
0x42: {  	_ =	strace $0x9000004E  }
0x43: {  	_ =	sfence  }
0x44: {  	s30 =	sld [smem:$0x0];
	_ =	sdelay $0x2  }
0x45: {  	s31 =	sshll.u32 s1, $0xD;
	s1 =	sshrl.u32 s1, $0x2  }
0x46: {  	s4 =	sand.u32 $0x4000, s31;
	s1 =	sadd.s32 s1, s30  }
0x47: {  	s0 =	sor.u32 s4, s0;
	s1 =	sshll.u32 s1, $0x11  }
0x48: {  	s0 =	sor.u32 s1, s0  }
0x49: {  	s0 =	sadd.s32 $0x8F2B, s0  }
0x4a: {  	[sflag:s0] =	ssyncadd.remote.s32 $0x1  }
0x4b: {  	_ =	sfence.sel $0xFFFF  }
0x4c: {  	[dreg:$0x0] =	wrdreg $0xFFFFFFFF;
	(pc) =	sbr.abs _section_cstart, $3  }
0x4d: {  	[dreg:$0x1] =	wrdreg $0xFFFFFFFF  }
0x4e: {  	_ =	task.clear_ibuf [dreg:s23], $0x2FFFF;
	_ =	strace $0x9FFFFFFF  }
0x4f: {  	(tm) =	ssettm $0x7FFFFFFF  }
tec
execute0_lowered:
.L_overlay_start_1:
0x0: {  	(tag) =	ssettag $0x1  }
0x1: {  	s0 =	srdreg.scid;
	s6 =	rddreg [dreg:$0x0]  }
0x2: {  	s3 =	rddreg [dreg:$0x1];
	s1 =	sshll.u32 s0, $0x4  }
0x3: {  	s5 =	simm.s32 $0x1;
	s0 =	stileid.u32;
	s1 =	sand.u32 $0x10, s1  }
0x4: {  	s31 =	simm.s32 $0x2;
	s18 =	simm.s32 $0x0;
	s1 =	sor.u32 s0, s1  }
0x5: {  	s8 =	simm.s32 $0xC8000;
	s17 =	simm.s32 $0x0;
	s2 =	sshll.u32 s1, $0x7  }
0x6: {  	s16 =	simm.s32 $0x0;
	s9 =	simm.s32 $0x0;
	s4 =	ssub.s32 $0x1000, s2  }
0x7: {  	s10 =	simm.s32 $0x0;
	s11 =	simm.s32 $0x0;
	s30 =	sand.u32 $0xF80, s4  }
0x8: {  	s12 =	simm.s32 $0x0;
	s13 =	simm.s32 $0x0;
	p0 =	sne.s32 s30, $0x0  }
.Ltmp0:
0x9: {  	s7 =	sshrl.u32 s4, $0xC;
	s5 =	simm.s32 @!p0 $0x0;
	(pc) =	sbr.rel .LBB1_1-.Ltmp0, $4  }
0xa: {  	s15 =	simm.s32 $0x0;
	s1 =	rddreg [dreg:$0x2];
	s5 =	sadd.s32 s5, s7  }
0xb: {  	_ =	strace $0x8000004D;
	s4 =	simm.s32 $0x1;
	s5 =	smul.u32 $0x190, s5  }
0xc: {  	s6 =	sadd.s32 $0x10F1200, s6;
	s14 =	smov.u32 s2;
	[sflag:s4] =	ssyncpa.u1 $0x0  }
0xd: {  	[sflag:s31] =	ssyncpa.u1 $0x0;
	p0 =	por $0x0, $0x0;
	s7 =	sor.u32 $0x1, s5  }
.LBB1_4:
0xe: {  	s24 =	sshll.u32 s10, $0xC;
	s25 =	sshll.u32 s11, $0x3  }
0xf: {  	s23 =	sshra.s32 s23, $0x2;
	p1 =	sgt.s32 s10, $0xC7;
	s29 =	sshra.s32 s10, $0x1F  }
0x10: {  	s27 =	smov.u32 s11;
	s28 =	sshra.s32 s11, $0x1F;
	s24 =	sand.u32 $0xFFFF8000, s24  }
0x11: {  	s26 =	sand.u32 $0xFFFFFC00, s25;
	s22 =	sadd.s32 s23, s22;
	s28 =	sand.u32 s28, s11  }
0x12: {  	s25 =	sand.u32 $0xC00, s25;
	s23 =	sadd.s32 s26, s24;
	s24 =	smov.u32 s10  }
0x13: {  	s26 =	sand.u32 s29, s10;
	s24 =	simm.s32 @!p1 $0xC7;
	p1 =	sgt.s32 s11, $0xF80  }
0x14: {  	s29 =	sshra.s32 s9, $0x1F;
	s23 =	sshrl.u32 s23, $0xC;
	s27 =	simm.s32 @!p1 $0xF80  }
0x15: {  	p1 =	sgt.s32 s9, $0x1;
	s24 =	ssub.s32 s24, s26;
	s26 =	smov.u32 s9  }
0x16: {  	v5 =	vld [tilespmem:s20+$0xFFFFFFD0];
	[tilespmem:s21+$0x2040 ss:$0x81] =	vst.msk $0xffff, v4;
	s26 =	simm.s32 @!p1 $0x1;
	s27 =	ssub.s32 s27, s28;
	s30 =	sadd.s32 $0xFFFFFF39, s24  }
0x17: {  	v58 =	vld [tilespmem:s20+$0xFFFFFFE0];
	[tilespmem:s21+$0x2850 ss:$0x81] =	vst.msk $0xffff, v3;
	s24 =	ssub.s32 $0xC8, s24;
	s28 =	sand.u32 s29, s9;
	s29 =	sand.u32 $0x78, s11  }
0x18: {  	v59 =	vld [tilespmem:s20+$0xFFFFFFF0];
	[tilespmem:s21+$0x3060 ss:$0x81] =	vst.msk $0xffff, v2;
	p1 =	sgt.s32 s30, $0x0;
	s31 =	sadd.s32 $0xFFFFF080, s27;
	s27 =	ssub.s32 $0x1000, s27  }
0x19: {  	v60 =	vld [tilespmem:s20+$0x0];
	[tilespmem:s21+$0x0 ss:$0x81] =	vst.msk $0xffff, v0;
	s30 =	smulhi.u32 $0x147AE15, s23;
	s28 =	sxor.u32 $0xFFFFFFFF, s28;
	s25 =	sor.u32 s29, s25  }
0x1a: {  	v61 =	vld [tilespmem:s20+$0x10];
	[tilespmem:s22+$0x3870 ss:$0x81] =	vst.msk $0xffff, v1;
	s29 =	sand.u32 $0x7, s11;
	s24 =	simm.s32 @p1 $0x0;
	p1 =	sgt.s32 s31, $0x7F  }
0x1b: {  	v62 =	vld [tilespmem:s20+$0x20];
	[tilespmem:s22+$0x810 ss:$0x81] =	vst.msk $0xffff, v5;
	s26 =	sadd.s32 s28, s26;
	s31 =	sshll.u32 s10, $0x7;
	s30 =	smul.u32 $0xC8, s30  }
0x1c: {  	v63 =	vld [tilespmem:s20+$0xFFFFFFC0];
	[tilespmem:s22+$0x1020 ss:$0x81] =	vst.msk $0xffff, v58;
	s27 =	simm.s32 @p1 $0x0;
	s28 =	sand.u32 $0x380, s31;
	s31 =	smul.u32 $0x19000, s9  }
0x1d: {  	[tilespmem:s22+$0x1830 ss:$0x81] =	vst.msk $0xffff, v59;
	p1 =	sgt.s32 s26, $0x7F;
	s21 =	ssub.s32 $0x80, s26;
	s24 =	smul.u32 s27, s24  }
0x1e: {  	[tilespmem:s22+$0x2040 ss:$0x81] =	vst.msk $0xffff, v60;
	s21 =	simm.s32 @p1 $0x0;
	s25 =	sor.u32 s28, s25;
	s20 =	ssub.s32 s23, s30  }
0x1f: {  	[tilespmem:s22+$0x2850 ss:$0x81] =	vst.msk $0xffff, v61;
	s27 =	sshrl.u32 s25, $0x3;
	s28 =	sadd.s32 s3, s31;
	s21 =	smul.u32 s21, s24  }
0x20: {  	[tilespmem:s22+$0x3060 ss:$0x81] =	vst.msk $0xffff, v62;
	s30 =	sshll.u32 s29, $0x12;
	s20 =	sshll.u32 s20, $0x9;
	s23 =	sadd.s32 s27, s28  }
0x21: {  	[tilespmem:s22+$0x0 ss:$0x81] =	vst.msk $0xffff, v63;
	s31 =	sor.u32 $0x80, s30;
	s20 =	sadd.s32 s20, s23;
	s21 =	sand.u32 $0x3FFFFFFF, s21  }
0x22: {  	[hbm4b:s20+s31] =	stream.strided.scatter [tilespmem:s19], [sflag:$0x2], s21, s8, s31, $0x20;
	[tilespmem:$0x10100] =	vst v63  }
.LBB1_5:
0x23: {  	p1 =	slt.u32 s15, $0x2  }
0x24: {  	s19 =	smov.u32 s18;
	p2 =	sgt.s32 @!p1 s18, $0x1;
	s20 =	sshra.s32 @!p1 s18, $0x1F  }
0x25: {  	s21 =	sshra.s32 @!p1 s17, $0x1F;
	p2 =	por !p2, p1;
	s18 =	sand.u32 @!p1 s20, s18  }
0x26: {  	s20 =	smov.u32 s17;
	s19 =	simm.s32 @p2 $0x1;
	p2 =	sgt.s32 @!p1 s17, $0xC7  }
0x27: {  	s18 =	sxor.u32 @!p1 $0xFFFFFFFF, s18;
	s17 =	sand.u32 @!p1 s21, s17;
	p2 =	por !p2, p1  }
0x28: {  	s21 =	sshra.s32 @!p1 s16, $0x1F;
	s20 =	simm.s32 @p2 $0xC7;
	p2 =	sgt.s32 @!p1 s16, $0xF80  }
0x29: {  	s17 =	ssub.s32 @!p1 s20, s17;
	p2 =	por !p2, p1;
	s20 =	smov.u32 s16  }
0x2a: {  	s16 =	sand.u32 @!p1 s21, s16;
	s21 =	sadd.s32 @!p1 $0xFFFFFF39, s17;
	s20 =	simm.s32 @p2 $0xF80  }
0x2b: {  	s18 =	sadd.s32 @!p1 s18, s19;
	p2 =	sgt.s32 @!p1 s21, $0x0;
	s16 =	ssub.s32 @!p1 s20, s16  }
0x2c: {  	s17 =	ssub.s32 @!p1 $0xC8, s17;
	p2 =	por !p2, p1;
	s19 =	sadd.s32 @!p1 $0xFFFFF080, s16  }
0x2d: {  	s17 =	simm.s32 @!p2 $0x0;
	p2 =	sgt.s32 @!p1 s19, $0x7F  }
0x2e: {  	s16 =	ssub.s32 @!p1 $0x1000, s16;
	p2 =	por !p2, p1  }
0x2f: {  	p3 =	sgt.s32 @!p1 s18, $0x7F;
	s19 =	sadd.s32 $0x80, s12;
	s16 =	simm.s32 @!p2 $0x0  }
0x30: {  	p2 =	sgt.s32 s19, $0x80;
	s16 =	smul.u32 @!p1 s16, s17;
	s17 =	simm.s32 $0x1  }
0x31: {  	s18 =	ssub.s32 @!p1 $0x80, s18;
	p3 =	por !p3, p1;
	s17 =	simm.s32 @!p2 $0x0  }
0x32: {  	p0 =	por !p0, !p0;
	s18 =	simm.s32 @!p3 $0x0;
	s20 =	sadd.s32 s17, s13  }
0x33: {  	s21 =	smov.u32 s14;
	s17 =	sadd.s32 $0x1000, s14;
	p3 =	sgt.s32 s20, $0xC7  }
0x34: {  	s22 =	simm.s32 @!p1 $0x2;
	s19 =	simm.s32 @p2 $0x0;
	s21 =	smov.u32 @p3 s17  }
0x35: {  	s16 =	smul.u32 @!p1 s18, s16;
	s18 =	smov.u32 s9;
	p2 =	sgt.s32 s21, $0xFFF  }
0x36: {  	s9 =	smov.u32 s12;
	s21 =	smov.u32 @p2 s2;
	p2 =	sne.s32 s15, s7  }
.Ltmp1:
0x37: {  	s12 =	smov.u32 s19;
	s16 =	sand.u32 @!p1 $0x3FFFFFFF, s16;
	(pc) =	sbr.rel @!p2 .LBB1_6-.Ltmp1, $4  }
0x38: {  	s20 =	simm.s32 @p3 $0x0;
	s17 =	smov.u32 s10;
	s10 =	smov.u32 s13  }
0x39: {  	_ =	swait.ge @!p1 [sflag:s22], s16;
	s23 =	ssub.s32 @!p1 $0x0, s16;
	s16 =	smov.u32 s11  }
0x3a: {  	s11 =	smov.u32 s14;
	s13 =	smov.u32 s20;
	[sflag:s22] =	ssyncset.done @!p1 $0x0  }
0x3b: {  	s15 =	sadd.s32 $0x1, s15;
	[sflag:s22] =	ssyncadd.s32 @!p1 s23;
	s14 =	smov.u32 s21  }
.LBB1_1:
0x3c: {  	p1 =	sge.u32 s15, s5  }
0x3d: {  	s19 =	sshll.u32 @!p1 s13, $0x8;
	s20 =	sshll.u32 @!p1 s12, $0x3  }
0x3e: {  	s21 =	sshll.u32 @!p1 s13, $0x7;
	s19 =	sand.u32 @!p1 $0xFFFFF800, s19;
	s20 =	sand.u32 @!p1 $0xFFFFFC00, s20  }
0x3f: {  	s19 =	sadd.s32 @!p1 s19, s20;
	s20 =	sand.u32 @!p1 $0x300, s21  }
0x40: {  	s19 =	sor.u32 @!p1 s20, s19  }
0x41: {  	s19 =	sshrl.u32 @!p1 s19, $0x8  }
0x42: {  	s31 =	sadd.s32 $0xFFFFFFFF, s15;
	s20 =	smulhi.u32 @!p1 $0x147AE15, s19  }
0x43: {  	s22 =	sxor.u32 @!p1 $0xFFFFFFFF, s15;
	s23 =	sand.u32 @!p1 $0x78, s12;
	s24 =	smul.u32 @!p1 $0x1900, s14  }
0x44: {  	s22 =	sshll.u32 @!p1 s22, $0xE;
	s21 =	sand.u32 @!p1 $0x80, s21;
	s20 =	smul.u32 @!p1 $0xC8, s20  }
0x45: {  	s22 =	sand.u32 @!p1 $0x4000, s22;
	s21 =	sor.u32 @!p1 s23, s21;
	s23 =	sand.u32 @!p1 $0x7, s12  }
0x46: {  	s19 =	ssub.s32 @!p1 s19, s20;
	s20 =	sshrl.u32 @!p1 s21, $0x3;
	s21 =	sadd.s32 @!p1 s6, s24  }
0x47: {  	s19 =	sshll.u32 @!p1 s19, $0x5;
	s20 =	sadd.s32 @!p1 s20, s21;
	s21 =	sshll.u32 @!p1 s23, $0x12  }
0x48: {  	s19 =	sadd.s32 @!p1 s19, s20;
	s20 =	sor.u32 @!p1 $0x80, s21;
	s21 =	simm.s32 @!p1 $0xC800  }
0x49: {  	[tilespmem:s22], [sflag:$0x1] =	stream.strided.gather @!p1 [hbm4b:s19+s20], $0x4000, s21, s20, $0x38;
	[tilespmem:$0x10100] =	vst v63  }
0x4a: {  	p1 =	sge.u32 s31, s5  }
.Ltmp2:
0x4b: {  	_ = 	snop;
	(pc) =	sbr.rel @p1 .LBB1_5-.Ltmp2, $1  }
0x4c: {  	_ =	sdelay $0x3  }
0x4d: {  	s19 =	simm.s32 $0x1  }
0x4e: {  	_ =	swait.ge [sflag:s4], $0x4000;
	s19 =	simm.s32 @!p0 $0x0  }
0x4f: {  	[sflag:s4] =	ssyncset.done $0x0;
	s20 =	sshll.u32 s19, $0xE  }
0x50: {  	[sflag:s4] =	ssyncadd.s32 $0xFFFFC000;
	s20 =	sor.u32 $0x40, s20  }
0x51: {  	s19 =	smul.u32 $0x10200, s19;
	v0 =	vld [tilespmem:s20+$0x30]  }
0x52: {  	v1 =	vld [tilespmem:s20+$0xFFFFFFD0]  }
0x53: {  	s19 =	sshrl.u32 s19, $0x2;
	v5 =	vld [tilespmem:s20+$0xFFFFFFE0]  }
0x54: {  	v6 =	vld [tilespmem:s20+$0xFFFFFFF0];
	s22 =	sor.u32 $0x8000, s19  }
0x55: {  	s31 =	sand.u32 $0x1, s15;
	v4 =	vld [tilespmem:s20+$0x0];
	s21 =	sadd.s32 $0x0, s22  }
0x56: {  	v3 =	vld [tilespmem:s20+$0x10];
	s19 =	smul.u32 $0x10200, s31;
	[tilespmem:s21+$0x3870 ss:$0x81] =	vst.msk $0xffff, v0  }
0x57: {  	v2 =	vld [tilespmem:s20+$0x20];
	[tilespmem:s21+$0x810 ss:$0x81] =	vst.msk $0xffff, v1  }
0x58: {  	s19 =	sshrl.u32 s19, $0x2;
	v0 =	vld [tilespmem:s20+$0xFFFFFFC0];
	[tilespmem:s21+$0x1020 ss:$0x81] =	vst.msk $0xffff, v5;
	s20 =	sadd.s32 $0x80, s20  }
0x59: {  	s23 =	simm.s32 $0x4;
	s24 =	simm.s32 $0x8;
	s19 =	sor.u32 $0x8000, s19;
	[tilespmem:s21+$0x1830 ss:$0x81] =	vst.msk $0xffff, v6;
	v1 =	vld [tilespmem:s20+$0x30]  }
.LBB1_3:
0x5a: {  	p1 =	sne.s32 s24, $0x1FC;
	v5 =	vld [tilespmem:s20+$0xFFFFFFD0];
	[tilespmem:s21+$0x2040 ss:$0x81] =	vst.msk $0xffff, v4  }
0x5b: {  	v6 =	vld [tilespmem:s20+$0xFFFFFFE0];
	[tilespmem:s21+$0x2850 ss:$0x81] =	vst.msk $0xffff, v3  }
0x5c: {  	s25 =	sshra.s32 s23, $0x2;
	s23 =	smov.u32 s24;
	v7 =	vld [tilespmem:s20+$0xFFFFFFF0];
	[tilespmem:s21+$0x3060 ss:$0x81] =	vst.msk $0xffff, v2  }
.Ltmp3:
0x5d: {  	v4 =	vld [tilespmem:s20+$0x0];
	[tilespmem:s21+$0x0 ss:$0x81] =	vst.msk $0xffff, v0;
	s21 =	sadd.s32 s25, s22;
	(pc) =	sbr.rel @p1 .LBB1_3-.Ltmp3, $4  }
0x5e: {  	v3 =	vld [tilespmem:s20+$0x10];
	[tilespmem:s21+$0x3870 ss:$0x81] =	vst.msk $0xffff, v1  }
0x5f: {  	[tilespmem:s21+$0x810 ss:$0x81] =	vst.msk $0xffff, v5;
	v2 =	vld [tilespmem:s20+$0x20]  }
0x60: {  	v0 =	vld [tilespmem:s20+$0xFFFFFFC0];
	[tilespmem:s21+$0x1020 ss:$0x81] =	vst.msk $0xffff, v6;
	s20 =	sadd.s32 $0x80, s20  }
0x61: {  	s24 =	sadd.s32 $0x4, s24;
	v1 =	vld [tilespmem:s20+$0x30];
	[tilespmem:s21+$0x1830 ss:$0x81] =	vst.msk $0xffff, v7  }
.Ltmp4:
0x62: {  	_ = 	snop;
	(pc) =	sbr.rel .LBB1_4-.Ltmp4, $1  }
0x63: {  	_ =	sdelay $0x3  }
.LBB1_6:
0x64: {  	_ =	sfence.sel $0x180000  }
0x65: {  	s2 =	simm.s32 $0x1;
	[bflag:$0x0] =	sbarrier.arrive $0xFFFF  }
0x66: {  	s31 =	simm.s32 $0x2;
	[sflag:s2] =	ssyncpa.u1 $0x1  }
0x67: {  	[sflag:s31] =	ssyncpa.u1 $0x1  }
0x68: {  	p0 =	sne.s32 s0, $0x0;
	_ =	strace $0x9000004D  }
0x69: {  	s0 =	sadd.s32 @!p0 $0x100000, s1;
	[bflag:$0x2] =	sbarrier.arrive $0xFFFF  }
0x6a: {  	[sflag:s0] =	ssyncadd.tile.s32 @!p0 $0x1;
	_ =	shalt  }
.Lfunc_end1:
_tile_overlayer_lowered:
.L_overlay_start_2:
0x6b: {  	(tag) =	ssettag $0x2  }
0x6c: {  	s0 =	rddreg [dreg:$0x0];
	s2 =	stileid.u32  }
0x6d: {  	s1 =	rddreg [dreg:$0x1];
	p0 =	sne.s32 s2, $0x0  }
0x6e: {  	s3 =	rddreg [dreg:$0x2];
	[bflag:$0x3] =	sbarrier.arrive $0xFFFF;
	s2 =	simm.s32 @!p0 $0x1C01  }
0x6f: {  	[timem:s3], [sflag:s2] =	dma.local @!p0 [hbm:s0], s1  }
0x70: {  	s0 =	simm.s32 @!p0 $0x1  }
0x71: {  	_ =	swait.ge @!p0 [sflag:s0], s1  }
0x72: {  	s1 =	ssub.s32 @!p0 $0x0, s1;
	[sflag:s0] =	ssyncset.done @!p0 $0x0  }
0x73: {  	[sflag:s0] =	ssyncadd.s32 @!p0 s1  }
0x74: {  	[bflag:$0x3] =	sbarrier.arrive $0xFFFF  }
0x75: {  	_ =	shalt  }

// kernel: sparse-core-data-format-call.cloned.1.call-start
scs
called_computation_lowered:
.L_overlay_start_0:
0x0: {  	s2 =	sld [smem:$0x3FD9]  }
0x1: {  	s3 =	sld [smem:$0x3FFE];
	_ =	sdelay $0x1  }
0x2: {  	s1 =	srdreg.scid  }
0x3: {  	s0 =	sand.u32 $0x1, s1  }
0x4: {  	s15 =	sshll.u32 s0, $0xA;
	s2 =	sadd.s32 s3, s2  }
0x5: {  	s2 =	sadd.s32 s2, s15  }
0x6: {  	[smem:$0x3FC4] =	sst s2  }
0x7: {  	_ = 	snop  }
0x8: {  	s2 =	sld [smem:$0x3FD0];
	_ =	sdelay $0x2  }
0x9: {  	s16 =	simm.s32 $0xB;
	s4 =	simm.s32 $0x10  }
0xa: {  	[smem:s4], [sflag:s16] =	dma.local [hbm:s2], $0x1  }
0xb: {  	_ =	swait.eq [sflag:s16], $0x1  }
0xc: {  	[sflag:s16] =	ssyncset.done $0x0  }
0xd: {  	[sflag:s16] =	ssyncadd.s32 $0xFFFFFFFF  }
0xe: {  	s17 =	sld [smem:$0x11];
	(tm) =	ssettm $0x1  }
0xf: {  	s18 =	sld [smem:$0x3FFB];
	_ =	sdelay $0x3  }
0x10: {  	_ =	strace s18  }
0x11: {  	s3 =	sld [smem:$0x3FFC];
	_ =	sdelay $0x3  }
0x12: {  	_ =	strace s3  }
0x13: {  	s3 =	sld [smem:$0x3FFD];
	_ =	sdelay $0x3  }
0x14: {  	_ =	strace s3  }
0x15: {  	_ =	strace $0x8FFFFFFF  }
0x16: {  	s19 =	sld [smem:$0x3FDB];
	_ =	sdelay $0x1  }
0x17: {  	s20 =	simm.s32 $_scs_section_size  }
0x18: {  	s5 =	simm.s32 $_size__tile_overlayer_lowered;
	s6 =	simm.s32 $_tile_overlayer_lowered  }
0x19: {  	s23 =	simm.s32 $0x1BFF;
	s22 =	sshll.u32 s6, $0x1;
	s3 =	sadd.s32 s20, s19  }
0x1a: {  	s7 =	simm.s32 $0x0;
	s21 =	sshll.u32 s5, $0x1;
	s5 =	sadd.s32 s22, s3  }
0x1b: {  	[timem:s7], [sflag:s23] =	dma.local [hbm:s5], s21  }
0x1c: {  	_ =	swait.ge [sflag:s23], s21  }
0x1d: {  	s4 =	ssub.s32 $0x0, s21;
	[sflag:s23] =	ssyncset.done $0x0  }
0x1e: {  	[sflag:s23] =	ssyncadd.s32 s4;
	_ =	sdelay $0x1  }
0x1f: {  	s24 =	simm.s32 $0x1B8B  }
0x20: {  	_ =	swait.ge [sflag:s24], $0x1  }
0x21: {  	[sflag:s24] =	ssyncset.done $0x0  }
0x22: {  	s26 =	simm.s32 $0x1B8E;
	s25 =	sld [smem:$0x3FFE];
	[sflag:s24] =	ssyncadd.s32 $0xFFFFFFFF  }
0x23: {  	s27 =	simm.s32 $execute0_lowered;
	[smem:$0x3FD2] =	sst s26  }
0x24: {  	s5 =	sshll.u32 s27, $0x1;
	_ =	strace $0x80000049;
	[dreg:$0x1] =	wrdreg $0xFFFFFFFF  }
0x25: {  	s28 =	simm.s32 $_size_execute0_lowered;
	s3 =	sadd.s32 s3, s5;
	[dreg:$0x0] =	wrdreg $0x0  }
0x26: {  	s5 =	sshll.u32 s28, $0x1;
	[dreg:$0x2] =	wrdreg s3  }
0x27: {  	[dreg:$0x3] =	wrdreg s5  }
0x28: {  	[dreg:$0x4] =	wrdreg $0xC0  }
0x29: {  	_ =	task [dreg:s7], $0x5FFFF  }
0x2a: {  	[dreg:$0x1] =	wrdreg $0xFFFFFFFF  }
0x2b: {  	[dreg:$0x0] =	wrdreg $0x60  }
0x2c: {  	[dreg:$0x2] =	wrdreg s25  }
0x2d: {  	[dreg:$0x3] =	wrdreg s17  }
0x2e: {  	[dreg:$0x4] =	wrdreg $0x9  }
0x2f: {  	_ =	task.clear_ibuf [dreg:s7], $0x5FFFF;
	_ =	strace $0x90000049  }
0x30: {  	s29 =	simm.s32 $0x9;
	_ =	strace $0x8000004B  }
0x31: {  	_ =	swait.ge [sflag:s29], $0x1  }
0x32: {  	[sflag:s29] =	ssyncadd.s32 $0xFFFFFFFF  }
0x33: {  	_ =	strace $0x9000004B  }
0x34: {  	_ =	sfence  }
0x35: {  	s30 =	sld [smem:$0x0];
	_ =	sdelay $0x2  }
0x36: {  	s31 =	sshll.u32 s1, $0xD;
	s1 =	sshrl.u32 s1, $0x2  }
0x37: {  	s3 =	sand.u32 $0x4000, s31;
	s1 =	sadd.s32 s1, s30  }
0x38: {  	s0 =	sor.u32 s3, s0;
	s1 =	sshll.u32 s1, $0x11  }
0x39: {  	s0 =	sor.u32 s1, s0  }
0x3a: {  	s0 =	sadd.s32 $0x8F2B, s0  }
0x3b: {  	[sflag:s0] =	ssyncadd.remote.s32 $0x1  }
0x3c: {  	_ =	sfence.sel $0xFFFF  }
0x3d: {  	[dreg:$0x0] =	wrdreg $0xFFFFFFFF;
	(pc) =	sbr.abs _section_cstart, $3  }
0x3e: {  	[dreg:$0x1] =	wrdreg $0xFFFFFFFF  }
0x3f: {  	_ =	task.clear_ibuf [dreg:s7], $0x2FFFF;
	_ =	strace $0x9FFFFFFF  }
0x40: {  	(tm) =	ssettm $0x7FFFFFFF  }
0x41: {  	_ =	shalt  }
tec
execute0_lowered:
.L_overlay_start_1:
0x0: {  	(tag) =	ssettag $0x1  }
0x1: {  	s0 =	srdreg.scid  }
0x2: {  	s1 =	sshll.u32 s0, $0x4  }
0x3: {  	s0 =	stileid.u32;
	s1 =	sand.u32 $0x10, s1  }
0x4: {  	s1 =	sor.u32 s0, s1  }
0x5: {  	s6 =	rddreg [dreg:$0x0];
	s4 =	simm.s32 $0x1;
	s2 =	sshll.u32 s1, $0x6  }
0x6: {  	s7 =	simm.s32 $0x2;
	s13 =	simm.s32 $0x0;
	s1 =	ssub.s32 $0x1000, s2  }
0x7: {  	s8 =	simm.s32 $0x2000;
	s9 =	simm.s32 $0x80000;
	s3 =	sand.u32 $0x7C0, s1  }
0x8: {  	s14 =	simm.s32 $0x0;
	s5 =	sshrl.u32 s1, $0xB;
	p0 =	sne.s32 s3, $0x0  }
.Ltmp0:
0x9: {  	s1 =	rddreg [dreg:$0x2];
	s4 =	simm.s32 @!p0 $0x0;
	(pc) =	sbr.rel .LBB1_1-.Ltmp0, $4  }
0xa: {  	s10 =	simm.s32 $0x0;
	s3 =	rddreg [dreg:$0x1];
	s5 =	sadd.s32 s4, s5  }
0xb: {  	_ =	strace $0x8000004A;
	s4 =	simm.s32 $0x1;
	s5 =	smul.u32 $0x19, s5  }
0xc: {  	s12 =	simm.s32 $0x0;
	s6 =	sadd.s32 $0xD71200, s6;
	[sflag:s4] =	ssyncpa.u1 $0x0  }
0xd: {  	s11 =	smov.u32 s2;
	[sflag:s7] =	ssyncpa.u1 $0x0;
	s7 =	sadd.s32 $0x1, s5  }
.LBB1_7:
0xe: {  	s15 =	sadd.s32 $0x2, s10  }
0xf: {  	s13 =	sadd.s32 $0x800, s11;
	s17 =	smov.u32 s11;
	p1 =	sgt.s32 s15, $0x31  }
0x10: {  	s17 =	smov.u32 @p1 s13  }
0x11: {  	s15 =	simm.s32 @p1 $0x0;
	p1 =	sgt.s32 s17, $0xFFF  }
0x12: {  	s17 =	smov.u32 @p1 s2;
	p1 =	sne.s32 s12, s7  }
.Ltmp1:
0x13: {  	p0 =	slt.u32 s12, $0x2;
	(pc) =	sbr.rel @!p1 .LBB1_8-.Ltmp1, $4  }
0x14: {  	s16 =	simm.s32 @!p0 $0x2  }
0x15: {  	s14 =	smov.u32 s11;
	_ =	swait.ge @!p0 [sflag:s16], $0x4000  }
0x16: {  	s13 =	smov.u32 s10;
	[sflag:s16] =	ssyncset.done @!p0 $0x0;
	s10 =	smov.u32 s15  }
0x17: {  	s12 =	sadd.s32 $0x1, s12;
	[sflag:s16] =	ssyncadd.s32 @!p0 $0xFFFFC000;
	s11 =	smov.u32 s17  }
.LBB1_1:
0x18: {  	p0 =	sge.u32 s12, s5  }
0x19: {  	s15 =	sand.u32 @!p0 $0x1FFFFFF, s10  }
0x1a: {  	s16 =	smulhi.u32 @!p0 $0x4924925, s15;
	_ =	sdelay $0x1  }
0x1b: {  	s16 =	smul.u32 @!p0 $0x38, s16  }
0x1c: {  	s17 =	sxor.u32 @!p0 $0xFFFFFFFF, s12;
	s18 =	smul.u32 @!p0 $0x380, s11  }
0x1d: {  	s31 =	sadd.s32 $0xFFFFFFFF, s12;
	s17 =	sshll.u32 @!p0 s17, $0xE;
	s15 =	ssub.s32 @!p0 s15, s16  }
0x1e: {  	s16 =	sand.u32 @!p0 $0x4000, s17;
	s17 =	sadd.s32 @!p0 s6, s18;
	s15 =	sshll.u32 @!p0 s15, $0x4  }
0x1f: {  	s18 =	simm.s32 @!p0 $0x1C00;
	s15 =	sadd.s32 @!p0 s15, s17;
	s17 =	simm.s32 @!p0 $0x100  }
0x20: {  	[tilespmem:s16], [sflag:$0x1] =	stream.strided.gather @!p0 [hbm4b:s15+s17], $0x4000, s18, s17, $0x38;
	[tilespmem:$0x10000] =	vst v63  }
0x21: {  	p0 =	sge.u32 s31, s5  }
.Ltmp2:
0x22: {  	_ = 	snop;
	(pc) =	sbr.rel @p0 .LBB1_7-.Ltmp2, $1  }
0x23: {  	_ =	sdelay $0x3  }
0x24: {  	_ =	swait.ge [sflag:s4], $0x4000;
	s15 =	sshll.u32 s12, $0xE  }
0x25: {  	[sflag:s4] =	ssyncset.done $0x0;
	s16 =	sand.u32 $0x4000, s15  }
0x26: {  	s17 =	simm.s32 $0x0;
	[sflag:s4] =	ssyncadd.s32 $0xFFFFC000;
	s15 =	sor.u32 $0x8000, s16  }
.LBB1_3:
0x27: {  	s18 =	sshll.u32 s17, $0x8  }
0x28: {  	s18 =	sand.u32 $0x3FFFFF00, s18  }
0x29: {  	s19 =	sshll.u32 s17, $0x7;
	s18 =	sadd.s32 s18, s16  }
0x2a: {  	s19 =	sand.u32 $0x3FFFFF80, s19;
	v0 =	vmov s18  }
0x2b: {  	s19 =	sadd.s32 s19, s15  }
0x2c: {  	p0 =	por $0x1, $0x1;
	v1 =	vmov s19;
	s18 =	simm.s32 $0x0  }
.LBB1_4:
0x2d: {  	s19 =	sshll.u32 s18, $0x7  }
0x2e: {  	s19 =	sand.u32 $0x3FFFFF80, s19  }
0x2f: {  	v2 =	vld.idx.msk [tilespmem:v0+s19+$0x0 ss:$0x1], $0xffff  }
0x30: {  	v3 =	vld.idx.msk [tilespmem:v0+s19+$0x10 ss:$0x1], $0xffff  }
0x31: {  	v4 =	vld.idx.msk [tilespmem:v0+s19+$0x20 ss:$0x1], $0xffff  }
0x32: {  	s31 =	sshll.u32 s18, $0xD;
	v5 =	vld.idx.msk [tilespmem:v0+s19+$0x30 ss:$0x1], $0xffff  }
0x33: {  	s18 =	sand.u32 $0x3FFFE000, s31;
	v6 =	vld.idx.msk [tilespmem:v0+s19+$0x40 ss:$0x1], $0xffff  }
0x34: {  	v63 =	vld.idx.msk [tilespmem:v0+s19+$0x70 ss:$0x1], $0xffff;
	[tilespmem:v1+s18+$0x0 ss:$0x1] =	vst.idx.msk $0xffff, v2  }
0x35: {  	v2 =	vld.idx.msk [tilespmem:v0+s19+$0x50 ss:$0x1], $0xffff;
	[tilespmem:v1+s18+$0x10 ss:$0x1] =	vst.idx.msk $0xffff, v3  }
0x36: {  	p1 =	por p0, p0;
	v3 =	vld.idx.msk [tilespmem:v0+s19+$0x60 ss:$0x1], $0xffff;
	[tilespmem:v1+s18+$0x20 ss:$0x1] =	vst.idx.msk $0xffff, v4  }
.Ltmp3:
0x37: {  	[tilespmem:v1+s18+$0x30 ss:$0x1] =	vst.idx.msk $0xffff, v5;
	(pc) =	sbr.rel @p1 .LBB1_4-.Ltmp3, $4  }
0x38: {  	[tilespmem:v1+s18+$0x40 ss:$0x1] =	vst.idx.msk $0xffff, v6  }
0x39: {  	[tilespmem:v1+s18+$0x70 ss:$0x1] =	vst.idx.msk $0xffff, v63  }
0x3a: {  	[tilespmem:v1+s18+$0x50 ss:$0x1] =	vst.idx.msk $0xffff, v2  }
0x3b: {  	p0 =	por $0x0, $0x0;
	[tilespmem:v1+s18+$0x60 ss:$0x1] =	vst.idx.msk $0xffff, v3;
	s18 =	simm.s32 $0x1  }
0x3c: {  	s17 =	sadd.s32 $0x1, s17  }
0x3d: {  	p0 =	sne.s32 s17, $0x40  }
.Ltmp4:
0x3e: {  	_ = 	snop;
	(pc) =	sbr.rel @p0 .LBB1_3-.Ltmp4, $1  }
0x3f: {  	_ =	sdelay $0x3  }
.Ltmp5:
0x40: {  	s14 =	sshll.u32 s14, $0x4;
	(pc) =	sbr.rel .LBB1_7-.Ltmp5, $4  }
0x41: {  	s14 =	sand.u32 $0xFFF0, s14  }
0x42: {  	s13 =	sshll.u32 s13, $0x10;
	s14 =	sadd.s32 s3, s14  }
0x43: {  	s13 =	sadd.s32 s13, s14  }
0x44: {  	[hbm4b:s13+s8] =	stream.strided.scatter [tilespmem:s15], [sflag:$0x2], $0x4000, s9, s8, $0x38;
	[tilespmem:$0x10000] =	vst v63  }
.LBB1_8:
0x45: {  	_ =	sfence.sel $0x180000  }
0x46: {  	s2 =	simm.s32 $0x1;
	[bflag:$0x0] =	sbarrier.arrive $0xFFFF  }
0x47: {  	s31 =	simm.s32 $0x2;
	[sflag:s2] =	ssyncpa.u1 $0x1  }
0x48: {  	[sflag:s31] =	ssyncpa.u1 $0x1  }
0x49: {  	p0 =	sne.s32 s0, $0x0;
	_ =	strace $0x9000004A  }
0x4a: {  	s0 =	sadd.s32 @!p0 $0x100000, s1;
	[bflag:$0x2] =	sbarrier.arrive $0xFFFF  }
0x4b: {  	[sflag:s0] =	ssyncadd.tile.s32 @!p0 $0x1;
	_ =	shalt  }
.Lfunc_end1:
_tile_overlayer_lowered:
.L_overlay_start_2:
0x4c: {  	(tag) =	ssettag $0x2  }
0x4d: {  	s0 =	rddreg [dreg:$0x0];
	s2 =	stileid.u32  }
0x4e: {  	s1 =	rddreg [dreg:$0x1];
	p0 =	sne.s32 s2, $0x0  }
0x4f: {  	s3 =	rddreg [dreg:$0x2];
	[bflag:$0x3] =	sbarrier.arrive $0xFFFF;
	s2 =	simm.s32 @!p0 $0x1C01  }
0x50: {  	[timem:s3], [sflag:s2] =	dma.local @!p0 [hbm:s0], s1  }
0x51: {  	s0 =	simm.s32 @!p0 $0x1  }
0x52: {  	_ =	swait.ge @!p0 [sflag:s0], s1  }
0x53: {  	s1 =	ssub.s32 @!p0 $0x0, s1;
	[sflag:s0] =	ssyncset.done @!p0 $0x0  }
0x54: {  	[sflag:s0] =	ssyncadd.s32 @!p0 s1  }
0x55: {  	[bflag:$0x3] =	sbarrier.arrive $0xFFFF  }
0x56: {  	_ =	shalt  }

</sc_bundles>
